<compile_context>
chip_gen: v7x
topology: tpu7x:2x2x1
jax: 0.10.2.dev20260603
libtpu: 0.0.44.dev20260713+nightly
codegen_flags: <defaults>
</compile_context>

<pallas_src>
import functools

import jax
import jax.numpy as jnp
from jax import lax
from jax.experimental import pallas as pl
from jax.experimental.pallas import tpu as pltpu
from jax.experimental.pallas import tpu_sc as plsc

B = 2
S = 8192
D = 1024
NUM_POS = S + 2

NC = 2
NS = 16
CPW = S // NS
L = 16
NW = CPW // L
R = 64
FB = 16
ROW1 = R
TAIL0 = R + 1
MARGIN = 32
GRP = D // L


@functools.partial(
    pl.kernel,
    out_type=jax.ShapeDtypeStruct((B, S, D), jnp.float32),
    mesh=plsc.VectorSubcoreMesh(core_axis_name="c", subcore_axis_name="s"),
    compiler_params=pltpu.CompilerParams(needs_layout_passes=False),
    scratch_types=[
        pltpu.VMEM((S,), jnp.int32),
        pltpu.VMEM((L,), jnp.int32),
        pltpu.VMEM((R + 3, D), jnp.float32),
        [pltpu.VMEM((L, D), jnp.float32)] * 2,
        pltpu.SemaphoreType.DMA,
        [pltpu.SemaphoreType.DMA] * 2,
    ],
)
def _sc_lookup(mask_hbm, w_hbm, out_hbm, mask_v, idx_v, ring, outs,
               isem, wsems):
    b = lax.axis_index("c")
    s = lax.axis_index("s")

    pltpu.sync_copy(mask_hbm.at[b], mask_v)
    lane = lax.iota(jnp.int32, L)
    idx_v[...] = jnp.where(lane == 1, S, jnp.where(lane == 2, S + 1, 1))
    pltpu.async_copy(w_hbm.at[idx_v], outs[0], isem).wait()

    def fill_body(g, carry):
        cs = pl.ds(g * L, L)
        ring[ROW1, cs] = outs[0][0, cs]
        ring[TAIL0, cs] = outs[0][1, cs]
        ring[TAIL0 + 1, cs] = outs[0][2, cs]
        return carry

    lax.fori_loop(0, GRP, fill_body, 0)

    n_pre = s * (CPW // L)

    def pre_body(i, acc):
        return acc + mask_v[pl.ds(i * L, L)]

    acc = lax.fori_loop(0, n_pre, pre_body, jnp.zeros((L,), jnp.int32))
    off = s * CPW
    base = jnp.sum(acc)
    f0 = pl.multiple_of((base + 2) & ~15, 8)

    def win_sum(w):
        o = jnp.minimum(off + w * L, S - L)
        return jnp.sum(mask_v[pl.ds(o, L)])

    def fetch_block(f, guard):
        fa = pl.multiple_of(f, 8)
        row = fa - f0
        slot = pl.multiple_of(row - (row & ~(R - 1)), 8)

        def _go():
            pltpu.async_copy(
                w_hbm.at[pl.ds(fa, FB)], ring.at[pl.ds(slot, FB)], isem)

        pl.when(guard)(_go)
        return jnp.where(guard, f + FB, f)

    def wait_block(g, guard):
        def _go():
            pltpu.make_async_copy(
                w_hbm.at[pl.ds(0, FB)], ring.at[pl.ds(0, FB)], isem).wait()

        pl.when(guard)(_go)
        return jnp.where(guard, g + FB, g)

    f = f0
    for _ in range(3):
        f = fetch_block(f, f <= S - FB)
    g = f0
    g = wait_block(g, g < f)
    b0_0 = base
    b0_1 = base + win_sum(0)
    rb0 = b0_1 + win_sum(1)

    def pair_body(p, carry):
        b0s, rb, f, g = carry
        b0s = list(b0s)
        for par in range(2):
            w = p * 2 + par
            b0 = b0s[par]
            v = mask_v[pl.ds(off + w * L, L)]
            ones = jnp.sum(v)
            needed = jnp.minimum(b0 + ones + 2, S)
            for _ in range(2):
                g = wait_block(g, g < needed)
            for _ in range(2):
                f = fetch_block(f, (f < needed + MARGIN) & (f <= S - FB))
            r = plsc.cumsum(v)
            srcabs = b0 + 1 + r
            srcrel = (srcabs - f0) & (R - 1)
            srcrow = jnp.where(
                v == 0, ROW1,
                jnp.where(srcabs >= S, srcabs - (S - TAIL0), srcrel))
            srows = [srcrow[k] for k in range(L)]
            ob = outs[par]

            @pl.when(p > 0)
            def _():
                pltpu.make_async_copy(
                    ob, out_hbm.at[b, pl.ds(off, L)], wsems[par]).wait()

            @plsc.parallel_loop(0, GRP, unroll=1)
            def copy_body(cg, _ob=ob, _srows=srows):
                cs = pl.ds(cg * L, L)
                for k in range(L):
                    _ob[k, cs] = ring[_srows[k], cs]

            pltpu.async_copy(
                ob, out_hbm.at[b, pl.ds(off + w * L, L)], wsems[par])

            b0s[par] = rb
            rb = rb + win_sum(w + 2)
        return (tuple(b0s), rb, f, g)

    _, _, f, g = lax.fori_loop(
        0, NW // 2, pair_body, ((b0_0, b0_1), rb0, f, g))

    for _ in range(3):
        g = wait_block(g, g < f)
    for par in range(2):
        pltpu.make_async_copy(
            outs[par], out_hbm.at[b, pl.ds(off, L)], wsems[par]).wait()


def kernel(attention_mask, past_key_values_length, weight):
    del past_key_values_length
    return _sc_lookup(attention_mask.astype(jnp.int32), weight)

# --- scband reference (transcript-rebuilt; emitter-appended) ---
"""Pipeline reference for scband-optembedding-21912923144199 (READ-ONLY COPY).

The authoritative reference and input builder live on the scoring server;
editing this copy changes nothing except your own understanding.
"""

import jax, jax.numpy as jnp
import numpy as np

OFFSET = 2
BATCH = 2
SEQ = 8192
DMODEL = 1024
NUM_POS = SEQ + OFFSET


def setup_inputs(seed: int = 0) -> dict:
    key = jax.random.key(seed)
    k1, k2 = jax.random.split(key)
    attention_mask = jax.random.randint(k1, (BATCH, SEQ), 0, 2, dtype=jnp.int32)
    weight = jax.random.normal(k2, (NUM_POS, DMODEL), dtype=jnp.float32) * 0.02
    return {
        "attention_mask": attention_mask,
        "past_key_values_length": 0,
        "weight": weight,
    }


def reference(attention_mask, past_key_values_length, weight):
    # attention_mask: int[B, S]; weight: float32[NUM_POS, DMODEL]
    mask = attention_mask.astype(jnp.int32)
    positions = (jnp.cumsum(mask, axis=1) * mask) - 1
    positions = jax.lax.dynamic_slice_in_dim(
        positions, past_key_values_length, positions.shape[1], axis=1
    )
    idx = positions + OFFSET
    return jnp.take(weight, idx, axis=0)

if __name__ == "__main__":
    import jax
    _d = setup_inputs()
    print(jax.jit(kernel)(*tuple(_d.values())))

</pallas_src>

<mosaic_0001>
#map = affine_map<(d0, d1) -> (0, 0)>
#map1 = affine_map<(d0, d1) -> (0, 0, 0)>
module attributes {stable_mosaic.version = 14 : i64} {
  func.func @_sc_lookup(%arg0: i32, %arg1: i32, %arg2: memref<2x8192xi32, #tpu.memory_space<hbm>>, %arg3: memref<8194x1024xf32, #tpu.memory_space<hbm>>, %arg4: memref<2x8192x1024xf32, #tpu.memory_space<hbm>>, %arg5: memref<8192xi32, #tpu.memory_space<vmem>>, %arg6: memref<16xi32, #tpu.memory_space<vmem>>, %arg7: memref<67x1024xf32, #tpu.memory_space<vmem>>, %arg8: memref<16x1024xf32, #tpu.memory_space<vmem>>, %arg9: memref<16x1024xf32, #tpu.memory_space<vmem>>, %arg10: memref<!tpu.dma_semaphore, #tpu.memory_space<semaphore_mem>>, %arg11: memref<!tpu.dma_semaphore, #tpu.memory_space<semaphore_mem>>, %arg12: memref<!tpu.dma_semaphore, #tpu.memory_space<semaphore_mem>>) attributes {dimension_semantics = [#tpu.dimension_semantics<core_parallel>, #tpu.dimension_semantics<subcore_parallel>], iteration_bounds = array<i64: 2, 16>, scalar_prefetch = 0 : i64, scratch_operands = 8 : i64, tpu.core_type = #tpu.core_type<sc_vector_subcore>, window_params = [{transform_indices = #map}, {transform_indices = #map}, {transform_indices = #map1}]} {
    "tpu.region"() ({
      %run_scoped3A = tpu.sem_alloc : memref<!tpu.dma_semaphore, #tpu.memory_space<semaphore_mem>>
      %dma_start3A_143 = arith.constant 0 : i32
      %dma_start3A_144 = tpu.memref_slice %arg2[%arg0, %dma_start3A_143] : memref<2x8192xi32, #tpu.memory_space<hbm>> -> memref<1x8192xi32, #tpu.memory_space<hbm>>
      %dma_start3A_145 = tpu.memref_squeeze %dma_start3A_144 : memref<1x8192xi32, #tpu.memory_space<hbm>> -> memref<8192xi32, #tpu.memory_space<hbm>>
      %dma_start3A_146 = arith.constant 0 : i32
      %dma_start3A_147 = tpu.memref_slice %arg2[%arg0, %dma_start3A_146] : memref<2x8192xi32, #tpu.memory_space<hbm>> -> memref<1x8192xi32, #tpu.memory_space<hbm>>
      %dma_start3A_148 = tpu.memref_squeeze %dma_start3A_147 : memref<1x8192xi32, #tpu.memory_space<hbm>> -> memref<8192xi32, #tpu.memory_space<hbm>>
      tpu.enqueue_dma source(%dma_start3A_148 : memref<8192xi32, #tpu.memory_space<hbm>>) target(%arg5 : memref<8192xi32, #tpu.memory_space<vmem>>) target_semaphore(%run_scoped3A : memref<!tpu.dma_semaphore, #tpu.memory_space<semaphore_mem>>)
      %dma_wait3A_149 = arith.constant 0 : i32
      %dma_wait3A_150 = tpu.memref_slice %arg2[%arg0, %dma_wait3A_149] : memref<2x8192xi32, #tpu.memory_space<hbm>> -> memref<1x8192xi32, #tpu.memory_space<hbm>>
      %dma_wait3A_151 = tpu.memref_squeeze %dma_wait3A_150 : memref<1x8192xi32, #tpu.memory_space<hbm>> -> memref<8192xi32, #tpu.memory_space<hbm>>
      %dma_wait3A_152 = arith.constant 0 : i32
      %dma_wait3A_153 = tpu.memref_slice %arg2[%arg0, %dma_wait3A_152] : memref<2x8192xi32, #tpu.memory_space<hbm>> -> memref<1x8192xi32, #tpu.memory_space<hbm>>
      %dma_wait3A_154 = tpu.memref_squeeze %dma_wait3A_153 : memref<1x8192xi32, #tpu.memory_space<hbm>> -> memref<8192xi32, #tpu.memory_space<hbm>>
      tpu.wait_dma2 semaphore(%run_scoped3A : memref<!tpu.dma_semaphore, #tpu.memory_space<semaphore_mem>>) src(%dma_wait3A_154 : memref<8192xi32, #tpu.memory_space<hbm>>) dst(%arg5 : memref<8192xi32, #tpu.memory_space<vmem>>)
      tpu.yield
    }) : () -> ()
    %iota3A = tpu.iota {dimensions = array<i32: 0>} : vector<16xi32>
    %eq3A = arith.constant 1 : i32
    %eq3A_0 = vector.broadcast %eq3A : i32 to vector<16xi32>
    %eq3A_1 = arith.cmpi eq, %iota3A, %eq3A_0 : vector<16xi32>
    %eq3A_2 = arith.constant 2 : i32
    %eq3A_3 = vector.broadcast %eq3A_2 : i32 to vector<16xi32>
    %eq3A_4 = arith.cmpi eq, %iota3A, %eq3A_3 : vector<16xi32>
    %jit3A = arith.constant 8193 : i32
    %jit3A_5 = arith.constant 1 : i32
    %broadcast_in_dim3A = vector.broadcast %jit3A : i32 to vector<16xi32>
    %broadcast_in_dim3A_6 = vector.broadcast %jit3A_5 : i32 to vector<16xi32>
    %select_n3A = arith.select %eq3A_4, %broadcast_in_dim3A, %broadcast_in_dim3A_6 : vector<16xi1>, vector<16xi32>
    %jit3A_7 = arith.constant 8192 : i32
    %broadcast_in_dim3A_8 = vector.broadcast %jit3A_7 : i32 to vector<16xi32>
    %select_n3A_9 = arith.select %eq3A_1, %broadcast_in_dim3A_8, %select_n3A : vector<16xi1>, vector<16xi32>
    %swap3A = arith.constant 0 : index
    %swap3A_10 = tpu.vector_load %arg6[%swap3A] {strides = array<i32>} : memref<16xi32, #tpu.memory_space<vmem>>, vector<16xi32>,
    tpu.vector_store %arg6[%swap3A], %select_n3A_9 {strides = array<i32>} : memref<16xi32, #tpu.memory_space<vmem>>, vector<16xi32>,
    %dma_start3A = arith.constant 0 : i32
    %dma_start3A_11 = arith.constant 0 : i32
    %dma_start3A_12 = tpu.memref_slice %arg3[%dma_start3A, %dma_start3A_11] : memref<8194x1024xf32, #tpu.memory_space<hbm>> -> memref<8194x1024xf32, #tpu.memory_space<hbm>>
    tpu.enqueue_indirect_dma source(%dma_start3A_12 : memref<8194x1024xf32, #tpu.memory_space<hbm>>) target(%arg8 : memref<16x1024xf32, #tpu.memory_space<vmem>>) offsets(%arg6 : memref<16xi32, #tpu.memory_space<vmem>>) semaphore(%arg10 : memref<!tpu.dma_semaphore, #tpu.memory_space<semaphore_mem>>)
    %dma_wait3A = arith.constant 0 : i32
    %dma_wait3A_13 = arith.constant 0 : i32
    %dma_wait3A_14 = tpu.memref_slice %arg3[%dma_wait3A, %dma_wait3A_13] : memref<8194x1024xf32, #tpu.memory_space<hbm>> -> memref<8194x1024xf32, #tpu.memory_space<hbm>>
    tpu.wait_indirect_dma semaphore(%arg10 : memref<!tpu.dma_semaphore, #tpu.memory_space<semaphore_mem>>) src(%dma_wait3A_14 : memref<8194x1024xf32, #tpu.memory_space<hbm>>) dst(%arg8 : memref<16x1024xf32, #tpu.memory_space<vmem>>)
    %scan3A = arith.constant 0 : i32
    %scan3A_15 = arith.constant 0 : i32
    %scan3A_16 = arith.constant 64 : i32
    %scan3A_17 = arith.addi %scan3A_15, %scan3A_16 : i32
    %scan3A_18 = arith.constant 1 : i32
    scf.for %scan3A_143 = %scan3A_15 to %scan3A_17 step %scan3A_18  : i32 {
      %mul3A_144 = arith.constant 16 : i32
      %mul3A_145 = arith.muli %scan3A_143, %mul3A_144 : i32
      %get3A_146 = arith.constant 0 : i32
      %get3A_147 = arith.index_cast %get3A_146 : i32 to index
      %get3A_148 = arith.index_cast %mul3A_145 : i32 to index
      %get3A_149 = tpu.vector_load %arg8[%get3A_147, %get3A_148] {strides = array<i32>} : memref<16x1024xf32, #tpu.memory_space<vmem>>, vector<16xf32>,
      %swap3A_150 = arith.constant 64 : i32
      %swap3A_151 = arith.index_cast %swap3A_150 : i32 to index
      %swap3A_152 = arith.index_cast %mul3A_145 : i32 to index
      %swap3A_153 = tpu.vector_load %arg7[%swap3A_151, %swap3A_152] {strides = array<i32>} : memref<67x1024xf32, #tpu.memory_space<vmem>>, vector<16xf32>,
      tpu.vector_store %arg7[%swap3A_151, %swap3A_152], %get3A_149 {strides = array<i32>} : memref<67x1024xf32, #tpu.memory_space<vmem>>, vector<16xf32>,
      %get3A_154 = arith.constant 1 : i32
      %get3A_155 = arith.index_cast %get3A_154 : i32 to index
      %get3A_156 = arith.index_cast %mul3A_145 : i32 to index
      %get3A_157 = tpu.vector_load %arg8[%get3A_155, %get3A_156] {strides = array<i32>} : memref<16x1024xf32, #tpu.memory_space<vmem>>, vector<16xf32>,
      %swap3A_158 = arith.constant 65 : i32
      %swap3A_159 = arith.index_cast %swap3A_158 : i32 to index
      %swap3A_160 = arith.index_cast %mul3A_145 : i32 to index
      %swap3A_161 = tpu.vector_load %arg7[%swap3A_159, %swap3A_160] {strides = array<i32>} : memref<67x1024xf32, #tpu.memory_space<vmem>>, vector<16xf32>,
      tpu.vector_store %arg7[%swap3A_159, %swap3A_160], %get3A_157 {strides = array<i32>} : memref<67x1024xf32, #tpu.memory_space<vmem>>, vector<16xf32>,
      %get3A_162 = arith.constant 2 : i32
      %get3A_163 = arith.index_cast %get3A_162 : i32 to index
      %get3A_164 = arith.index_cast %mul3A_145 : i32 to index
      %get3A_165 = tpu.vector_load %arg8[%get3A_163, %get3A_164] {strides = array<i32>} : memref<16x1024xf32, #tpu.memory_space<vmem>>, vector<16xf32>,
      %swap3A_166 = arith.constant 66 : i32
      %swap3A_167 = arith.index_cast %swap3A_166 : i32 to index
      %swap3A_168 = arith.index_cast %mul3A_145 : i32 to index
      %swap3A_169 = tpu.vector_load %arg7[%swap3A_167, %swap3A_168] {strides = array<i32>} : memref<67x1024xf32, #tpu.memory_space<vmem>>, vector<16xf32>,
      tpu.vector_store %arg7[%swap3A_167, %swap3A_168], %get3A_165 {strides = array<i32>} : memref<67x1024xf32, #tpu.memory_space<vmem>>, vector<16xf32>,
    }
    %scan3A_19 = arith.constant 64 : i32
    %mul3A = arith.constant 32 : i32
    %mul3A_20 = arith.muli %arg1, %mul3A : i32
    %broadcast_in_dim3A_21 = arith.constant 0 : i32
    %broadcast_in_dim3A_22 = vector.broadcast %broadcast_in_dim3A_21 : i32 to vector<16xi32>
    %while3A = arith.constant 0 : i32
    %while3A_23 = arith.subi %mul3A_20, %while3A : i32
    %while3A_24 = arith.addi %while3A, %while3A_23 : i32
    %while3A_25 = arith.constant 1 : i32
    %while3A_26 = arith.divsi %while3A_23, %while3A_25 : i32
    %while3A_27 = arith.muli %while3A_26, %while3A_25 : i32
    %while3A_28 = arith.addi %while3A, %while3A_27 : i32
    %while3A_29 = arith.constant 1 : i32
    %while3A_30 = scf.for %while3A_143 = %while3A to %while3A_28 step %while3A_29 iter_args(%while3A_144 = %broadcast_in_dim3A_22) -> (vector<16xi32>)  : i32 {
      %mul3A_145 = arith.constant 16 : i32
      %mul3A_146 = arith.muli %while3A_143, %mul3A_145 : i32
      %get3A_147 = arith.index_cast %mul3A_146 : i32 to index
      %get3A_148 = tpu.vector_load %arg5[%get3A_147] {strides = array<i32>} : memref<8192xi32, #tpu.memory_space<vmem>>, vector<16xi32>,
      %add3A_149 = arith.addi %while3A_144, %get3A_148 : vector<16xi32>
      scf.yield %add3A_149 : vector<16xi32>
    }
    %while3A_31 = arith.constant 1 : i32
    %while3A_32 = scf.for %while3A_143 = %while3A_28 to %while3A_24 step %while3A_31 iter_args(%while3A_144 = %while3A_30) -> (vector<16xi32>)  : i32 {
      %mul3A_145 = arith.constant 16 : i32
      %mul3A_146 = arith.muli %while3A_143, %mul3A_145 : i32
      %get3A_147 = arith.index_cast %mul3A_146 : i32 to index
      %get3A_148 = tpu.vector_load %arg5[%get3A_147] {strides = array<i32>} : memref<8192xi32, #tpu.memory_space<vmem>>, vector<16xi32>,
      %add3A_149 = arith.addi %while3A_144, %get3A_148 : vector<16xi32>
      scf.yield %add3A_149 : vector<16xi32>
    }
    %mul3A_33 = arith.constant 512 : i32
    %mul3A_34 = arith.muli %arg1, %mul3A_33 : i32
    %reduce_sum3A = arith.constant true
    %reduce_sum3A_35 = vector.broadcast %reduce_sum3A : i1 to vector<16xi1>
    %reduce_sum3A_36 = tpu.scan <sum>, %while3A_32 masked %reduce_sum3A_35 : vector<16xi32>, vector<16xi1> -> vector<16xi32>
    %reduce_sum3A_37 = vector.extract %reduce_sum3A_36[15] : i32 from vector<16xi32>
    %add3A = arith.constant 2 : i32
    %add3A_38 = arith.addi %reduce_sum3A_37, %add3A : i32
    %and3A = arith.constant -16 : i32
    %and3A_39 = arith.andi %add3A_38, %and3A : i32
    %multiple_of3A = tpu.assume_multiple %and3A_39, 8 : i32
    %le3A = arith.constant 8176 : i32
    %le3A_40 = arith.cmpi sle, %multiple_of3A, %le3A : i32
    %multiple_of3A_41 = tpu.assume_multiple %multiple_of3A, 8 : i32
    %sub3A = arith.subi %multiple_of3A_41, %multiple_of3A : i32
    %and3A_42 = arith.constant -64 : i32
    %and3A_43 = arith.andi %sub3A, %and3A_42 : i32
    %sub3A_44 = arith.subi %sub3A, %and3A_43 : i32
    %multiple_of3A_45 = tpu.assume_multiple %sub3A_44, 8 : i32
    %convert_element_type3A = arith.extui %le3A_40 : i1 to i32
    %cond3A = arith.constant 0 : i32
    %cond3A_46 = arith.cmpi ne, %convert_element_type3A, %cond3A : i32
    scf.if %cond3A_46 {
      %dma_start3A_143 = arith.constant 0 : i32
      %dma_start3A_144 = tpu.memref_slice %arg7[%multiple_of3A_45, %dma_start3A_143] : memref<67x1024xf32, #tpu.memory_space<vmem>> -> memref<16x1024xf32, #tpu.memory_space<vmem>>
      %dma_start3A_145 = arith.constant 0 : i32
      %dma_start3A_146 = tpu.memref_slice %arg3[%multiple_of3A_41, %dma_start3A_145] : memref<8194x1024xf32, #tpu.memory_space<hbm>> -> memref<16x1024xf32, #tpu.memory_space<hbm>>
      %dma_start3A_147 = arith.constant 0 : i32
      %dma_start3A_148 = tpu.memref_slice %arg7[%multiple_of3A_45, %dma_start3A_147] : memref<67x1024xf32, #tpu.memory_space<vmem>> -> memref<16x1024xf32, #tpu.memory_space<vmem>>
      %dma_start3A_149 = arith.constant 0 : i32
      %dma_start3A_150 = tpu.memref_slice %arg3[%multiple_of3A_41, %dma_start3A_149] : memref<8194x1024xf32, #tpu.memory_space<hbm>> -> memref<16x1024xf32, #tpu.memory_space<hbm>>
      tpu.enqueue_dma source(%dma_start3A_150 : memref<16x1024xf32, #tpu.memory_space<hbm>>) target(%dma_start3A_148 : memref<16x1024xf32, #tpu.memory_space<vmem>>) target_semaphore(%arg10 : memref<!tpu.dma_semaphore, #tpu.memory_space<semaphore_mem>>)
    } else {
    }
    %add3A_47 = arith.constant 16 : i32
    %add3A_48 = arith.addi %multiple_of3A, %add3A_47 : i32
    %select_n3A_49 = arith.select %le3A_40, %add3A_48, %multiple_of3A : i32
    %le3A_50 = arith.constant 8176 : i32
    %le3A_51 = arith.cmpi sle, %select_n3A_49, %le3A_50 : i32
    %multiple_of3A_52 = tpu.assume_multiple %select_n3A_49, 8 : i32
    %sub3A_53 = arith.subi %multiple_of3A_52, %multiple_of3A : i32
    %and3A_54 = arith.constant -64 : i32
    %and3A_55 = arith.andi %sub3A_53, %and3A_54 : i32
    %sub3A_56 = arith.subi %sub3A_53, %and3A_55 : i32
    %multiple_of3A_57 = tpu.assume_multiple %sub3A_56, 8 : i32
    %convert_element_type3A_58 = arith.extui %le3A_51 : i1 to i32
    %cond3A_59 = arith.constant 0 : i32
    %cond3A_60 = arith.cmpi ne, %convert_element_type3A_58, %cond3A_59 : i32
    scf.if %cond3A_60 {
      %dma_start3A_143 = arith.constant 0 : i32
      %dma_start3A_144 = tpu.memref_slice %arg7[%multiple_of3A_57, %dma_start3A_143] : memref<67x1024xf32, #tpu.memory_space<vmem>> -> memref<16x1024xf32, #tpu.memory_space<vmem>>
      %dma_start3A_145 = arith.constant 0 : i32
      %dma_start3A_146 = tpu.memref_slice %arg3[%multiple_of3A_52, %dma_start3A_145] : memref<8194x1024xf32, #tpu.memory_space<hbm>> -> memref<16x1024xf32, #tpu.memory_space<hbm>>
      %dma_start3A_147 = arith.constant 0 : i32
      %dma_start3A_148 = tpu.memref_slice %arg7[%multiple_of3A_57, %dma_start3A_147] : memref<67x1024xf32, #tpu.memory_space<vmem>> -> memref<16x1024xf32, #tpu.memory_space<vmem>>
      %dma_start3A_149 = arith.constant 0 : i32
      %dma_start3A_150 = tpu.memref_slice %arg3[%multiple_of3A_52, %dma_start3A_149] : memref<8194x1024xf32, #tpu.memory_space<hbm>> -> memref<16x1024xf32, #tpu.memory_space<hbm>>
      tpu.enqueue_dma source(%dma_start3A_150 : memref<16x1024xf32, #tpu.memory_space<hbm>>) target(%dma_start3A_148 : memref<16x1024xf32, #tpu.memory_space<vmem>>) target_semaphore(%arg10 : memref<!tpu.dma_semaphore, #tpu.memory_space<semaphore_mem>>)
    } else {
    }
    %add3A_61 = arith.constant 16 : i32
    %add3A_62 = arith.addi %select_n3A_49, %add3A_61 : i32
    %select_n3A_63 = arith.select %le3A_51, %add3A_62, %select_n3A_49 : i32
    %le3A_64 = arith.constant 8176 : i32
    %le3A_65 = arith.cmpi sle, %select_n3A_63, %le3A_64 : i32
    %multiple_of3A_66 = tpu.assume_multiple %select_n3A_63, 8 : i32
    %sub3A_67 = arith.subi %multiple_of3A_66, %multiple_of3A : i32
    %and3A_68 = arith.constant -64 : i32
    %and3A_69 = arith.andi %sub3A_67, %and3A_68 : i32
    %sub3A_70 = arith.subi %sub3A_67, %and3A_69 : i32
    %multiple_of3A_71 = tpu.assume_multiple %sub3A_70, 8 : i32
    %convert_element_type3A_72 = arith.extui %le3A_65 : i1 to i32
    %cond3A_73 = arith.constant 0 : i32
    %cond3A_74 = arith.cmpi ne, %convert_element_type3A_72, %cond3A_73 : i32
    scf.if %cond3A_74 {
      %dma_start3A_143 = arith.constant 0 : i32
      %dma_start3A_144 = tpu.memref_slice %arg7[%multiple_of3A_71, %dma_start3A_143] : memref<67x1024xf32, #tpu.memory_space<vmem>> -> memref<16x1024xf32, #tpu.memory_space<vmem>>
      %dma_start3A_145 = arith.constant 0 : i32
      %dma_start3A_146 = tpu.memref_slice %arg3[%multiple_of3A_66, %dma_start3A_145] : memref<8194x1024xf32, #tpu.memory_space<hbm>> -> memref<16x1024xf32, #tpu.memory_space<hbm>>
      %dma_start3A_147 = arith.constant 0 : i32
      %dma_start3A_148 = tpu.memref_slice %arg7[%multiple_of3A_71, %dma_start3A_147] : memref<67x1024xf32, #tpu.memory_space<vmem>> -> memref<16x1024xf32, #tpu.memory_space<vmem>>
      %dma_start3A_149 = arith.constant 0 : i32
      %dma_start3A_150 = tpu.memref_slice %arg3[%multiple_of3A_66, %dma_start3A_149] : memref<8194x1024xf32, #tpu.memory_space<hbm>> -> memref<16x1024xf32, #tpu.memory_space<hbm>>
      tpu.enqueue_dma source(%dma_start3A_150 : memref<16x1024xf32, #tpu.memory_space<hbm>>) target(%dma_start3A_148 : memref<16x1024xf32, #tpu.memory_space<vmem>>) target_semaphore(%arg10 : memref<!tpu.dma_semaphore, #tpu.memory_space<semaphore_mem>>)
    } else {
    }
    %add3A_75 = arith.constant 16 : i32
    %add3A_76 = arith.addi %select_n3A_63, %add3A_75 : i32
    %select_n3A_77 = arith.select %le3A_65, %add3A_76, %select_n3A_63 : i32
    %lt3A = arith.cmpi slt, %multiple_of3A, %select_n3A_77 : i32
    %convert_element_type3A_78 = arith.extui %lt3A : i1 to i32
    %cond3A_79 = arith.constant 0 : i32
    %cond3A_80 = arith.cmpi ne, %convert_element_type3A_78, %cond3A_79 : i32
    scf.if %cond3A_80 {
      %dma_wait3A_143 = arith.constant 0 : i32
      %dma_wait3A_144 = arith.constant 0 : i32
      %dma_wait3A_145 = tpu.memref_slice %arg7[%dma_wait3A_143, %dma_wait3A_144] : memref<67x1024xf32, #tpu.memory_space<vmem>> -> memref<16x1024xf32, #tpu.memory_space<vmem>>
      %dma_wait3A_146 = arith.constant 0 : i32
      %dma_wait3A_147 = arith.constant 0 : i32
      %dma_wait3A_148 = tpu.memref_slice %arg3[%dma_wait3A_146, %dma_wait3A_147] : memref<8194x1024xf32, #tpu.memory_space<hbm>> -> memref<16x1024xf32, #tpu.memory_space<hbm>>
      %dma_wait3A_149 = arith.constant 0 : i32
      %dma_wait3A_150 = arith.constant 0 : i32
      %dma_wait3A_151 = tpu.memref_slice %arg7[%dma_wait3A_149, %dma_wait3A_150] : memref<67x1024xf32, #tpu.memory_space<vmem>> -> memref<16x1024xf32, #tpu.memory_space<vmem>>
      %dma_wait3A_152 = arith.constant 0 : i32
      %dma_wait3A_153 = arith.constant 0 : i32
      %dma_wait3A_154 = tpu.memref_slice %arg3[%dma_wait3A_152, %dma_wait3A_153] : memref<8194x1024xf32, #tpu.memory_space<hbm>> -> memref<16x1024xf32, #tpu.memory_space<hbm>>
      tpu.wait_dma2 semaphore(%arg10 : memref<!tpu.dma_semaphore, #tpu.memory_space<semaphore_mem>>) src(%dma_wait3A_154 : memref<16x1024xf32, #tpu.memory_space<hbm>>) dst(%dma_wait3A_151 : memref<16x1024xf32, #tpu.memory_space<vmem>>)
    } else {
    }
    %add3A_81 = arith.constant 16 : i32
    %add3A_82 = arith.addi %multiple_of3A, %add3A_81 : i32
    %select_n3A_83 = arith.select %lt3A, %add3A_82, %multiple_of3A : i32
    %add3A_84 = arith.constant 0 : i32
    %add3A_85 = arith.addi %mul3A_34, %add3A_84 : i32
    %min3A = arith.constant 8176 : i32
    %min3A_86 = arith.minsi %add3A_85, %min3A : i32
    %get3A = arith.index_cast %min3A_86 : i32 to index
    %get3A_87 = tpu.vector_load %arg5[%get3A] {strides = array<i32>} : memref<8192xi32, #tpu.memory_space<vmem>>, vector<16xi32>,
    %reduce_sum3A_88 = arith.constant true
    %reduce_sum3A_89 = vector.broadcast %reduce_sum3A_88 : i1 to vector<16xi1>
    %reduce_sum3A_90 = tpu.scan <sum>, %get3A_87 masked %reduce_sum3A_89 : vector<16xi32>, vector<16xi1> -> vector<16xi32>
    %reduce_sum3A_91 = vector.extract %reduce_sum3A_90[15] : i32 from vector<16xi32>
    %add3A_92 = arith.addi %reduce_sum3A_37, %reduce_sum3A_91 : i32
    %add3A_93 = arith.constant 16 : i32
    %add3A_94 = arith.addi %mul3A_34, %add3A_93 : i32
    %min3A_95 = arith.constant 8176 : i32
    %min3A_96 = arith.minsi %add3A_94, %min3A_95 : i32
    %get3A_97 = arith.index_cast %min3A_96 : i32 to index
    %get3A_98 = tpu.vector_load %arg5[%get3A_97] {strides = array<i32>} : memref<8192xi32, #tpu.memory_space<vmem>>, vector<16xi32>,
    %reduce_sum3A_99 = arith.constant true
    %reduce_sum3A_100 = vector.broadcast %reduce_sum3A_99 : i1 to vector<16xi1>
    %reduce_sum3A_101 = tpu.scan <sum>, %get3A_98 masked %reduce_sum3A_100 : vector<16xi32>, vector<16xi1> -> vector<16xi32>
    %reduce_sum3A_102 = vector.extract %reduce_sum3A_101[15] : i32 from vector<16xi32>
    %add3A_103 = arith.addi %add3A_92, %reduce_sum3A_102 : i32
    %scan3A_104 = arith.constant 0 : i32
    %scan3A_105 = arith.constant 16 : i32
    %scan3A_106 = arith.addi %scan3A_104, %scan3A_105 : i32
    %scan3A_107 = arith.constant 1 : i32
    %scan3A_108:5 = scf.for %scan3A_143 = %scan3A_104 to %scan3A_106 step %scan3A_107 iter_args(%scan3A_144 = %reduce_sum3A_37, %scan3A_145 = %add3A_92, %scan3A_146 = %add3A_103, %scan3A_147 = %select_n3A_77, %scan3A_148 = %select_n3A_83) -> (i32, i32, i32, i32, i32)  : i32 {
      %mul3A_149 = arith.constant 2 : i32
      %mul3A_150 = arith.muli %scan3A_143, %mul3A_149 : i32
      %add3A_151 = arith.constant 0 : i32
      %add3A_152 = arith.addi %mul3A_150, %add3A_151 : i32
      %mul3A_153 = arith.constant 16 : i32
      %mul3A_154 = arith.muli %add3A_152, %mul3A_153 : i32
      %add3A_155 = arith.addi %mul3A_34, %mul3A_154 : i32
      %get3A_156 = arith.index_cast %add3A_155 : i32 to index
      %get3A_157 = tpu.vector_load %arg5[%get3A_156] {strides = array<i32>} : memref<8192xi32, #tpu.memory_space<vmem>>, vector<16xi32>,
      %reduce_sum3A_158 = arith.constant true
      %reduce_sum3A_159 = vector.broadcast %reduce_sum3A_158 : i1 to vector<16xi1>
      %reduce_sum3A_160 = tpu.scan <sum>, %get3A_157 masked %reduce_sum3A_159 : vector<16xi32>, vector<16xi1> -> vector<16xi32>
      %reduce_sum3A_161 = vector.extract %reduce_sum3A_160[15] : i32 from vector<16xi32>
      %add3A_162 = arith.addi %scan3A_144, %reduce_sum3A_161 : i32
      %add3A_163 = arith.constant 2 : i32
      %add3A_164 = arith.addi %add3A_162, %add3A_163 : i32
      %min3A_165 = arith.constant 8192 : i32
      %min3A_166 = arith.minsi %add3A_164, %min3A_165 : i32
      %lt3A_167 = arith.cmpi slt, %scan3A_148, %min3A_166 : i32
      %convert_element_type3A_168 = arith.extui %lt3A_167 : i1 to i32
      %cond3A_169 = arith.constant 0 : i32
      %cond3A_170 = arith.cmpi ne, %convert_element_type3A_168, %cond3A_169 : i32
      scf.if %cond3A_170 {
        %dma_wait3A_455 = arith.constant 0 : i32
        %dma_wait3A_456 = arith.constant 0 : i32
        %dma_wait3A_457 = tpu.memref_slice %arg7[%dma_wait3A_455, %dma_wait3A_456] : memref<67x1024xf32, #tpu.memory_space<vmem>> -> memref<16x1024xf32, #tpu.memory_space<vmem>>
        %dma_wait3A_458 = arith.constant 0 : i32
        %dma_wait3A_459 = arith.constant 0 : i32
        %dma_wait3A_460 = tpu.memref_slice %arg3[%dma_wait3A_458, %dma_wait3A_459] : memref<8194x1024xf32, #tpu.memory_space<hbm>> -> memref<16x1024xf32, #tpu.memory_space<hbm>>
        %dma_wait3A_461 = arith.constant 0 : i32
        %dma_wait3A_462 = arith.constant 0 : i32
        %dma_wait3A_463 = tpu.memref_slice %arg7[%dma_wait3A_461, %dma_wait3A_462] : memref<67x1024xf32, #tpu.memory_space<vmem>> -> memref<16x1024xf32, #tpu.memory_space<vmem>>
        %dma_wait3A_464 = arith.constant 0 : i32
        %dma_wait3A_465 = arith.constant 0 : i32
        %dma_wait3A_466 = tpu.memref_slice %arg3[%dma_wait3A_464, %dma_wait3A_465] : memref<8194x1024xf32, #tpu.memory_space<hbm>> -> memref<16x1024xf32, #tpu.memory_space<hbm>>
        tpu.wait_dma2 semaphore(%arg10 : memref<!tpu.dma_semaphore, #tpu.memory_space<semaphore_mem>>) src(%dma_wait3A_466 : memref<16x1024xf32, #tpu.memory_space<hbm>>) dst(%dma_wait3A_463 : memref<16x1024xf32, #tpu.memory_space<vmem>>)
      } else {
      }
      %add3A_171 = arith.constant 16 : i32
      %add3A_172 = arith.addi %scan3A_148, %add3A_171 : i32
      %select_n3A_173 = arith.select %lt3A_167, %add3A_172, %scan3A_148 : i32
      %lt3A_174 = arith.cmpi slt, %select_n3A_173, %min3A_166 : i32
      %convert_element_type3A_175 = arith.extui %lt3A_174 : i1 to i32
      %cond3A_176 = arith.constant 0 : i32
      %cond3A_177 = arith.cmpi ne, %convert_element_type3A_175, %cond3A_176 : i32
      scf.if %cond3A_177 {
        %dma_wait3A_455 = arith.constant 0 : i32
        %dma_wait3A_456 = arith.constant 0 : i32
        %dma_wait3A_457 = tpu.memref_slice %arg7[%dma_wait3A_455, %dma_wait3A_456] : memref<67x1024xf32, #tpu.memory_space<vmem>> -> memref<16x1024xf32, #tpu.memory_space<vmem>>
        %dma_wait3A_458 = arith.constant 0 : i32
        %dma_wait3A_459 = arith.constant 0 : i32
        %dma_wait3A_460 = tpu.memref_slice %arg3[%dma_wait3A_458, %dma_wait3A_459] : memref<8194x1024xf32, #tpu.memory_space<hbm>> -> memref<16x1024xf32, #tpu.memory_space<hbm>>
        %dma_wait3A_461 = arith.constant 0 : i32
        %dma_wait3A_462 = arith.constant 0 : i32
        %dma_wait3A_463 = tpu.memref_slice %arg7[%dma_wait3A_461, %dma_wait3A_462] : memref<67x1024xf32, #tpu.memory_space<vmem>> -> memref<16x1024xf32, #tpu.memory_space<vmem>>
        %dma_wait3A_464 = arith.constant 0 : i32
        %dma_wait3A_465 = arith.constant 0 : i32
        %dma_wait3A_466 = tpu.memref_slice %arg3[%dma_wait3A_464, %dma_wait3A_465] : memref<8194x1024xf32, #tpu.memory_space<hbm>> -> memref<16x1024xf32, #tpu.memory_space<hbm>>
        tpu.wait_dma2 semaphore(%arg10 : memref<!tpu.dma_semaphore, #tpu.memory_space<semaphore_mem>>) src(%dma_wait3A_466 : memref<16x1024xf32, #tpu.memory_space<hbm>>) dst(%dma_wait3A_463 : memref<16x1024xf32, #tpu.memory_space<vmem>>)
      } else {
      }
      %add3A_178 = arith.constant 16 : i32
      %add3A_179 = arith.addi %select_n3A_173, %add3A_178 : i32
      %select_n3A_180 = arith.select %lt3A_174, %add3A_179, %select_n3A_173 : i32
      %add3A_181 = arith.constant 32 : i32
      %add3A_182 = arith.addi %min3A_166, %add3A_181 : i32
      %lt3A_183 = arith.cmpi slt, %scan3A_147, %add3A_182 : i32
      %le3A_184 = arith.constant 8176 : i32
      %le3A_185 = arith.cmpi sle, %scan3A_147, %le3A_184 : i32
      %and3A_186 = arith.andi %lt3A_183, %le3A_185 : i1
      %multiple_of3A_187 = tpu.assume_multiple %scan3A_147, 8 : i32
      %sub3A_188 = arith.subi %multiple_of3A_187, %multiple_of3A : i32
      %and3A_189 = arith.constant -64 : i32
      %and3A_190 = arith.andi %sub3A_188, %and3A_189 : i32
      %sub3A_191 = arith.subi %sub3A_188, %and3A_190 : i32
      %multiple_of3A_192 = tpu.assume_multiple %sub3A_191, 8 : i32
      %convert_element_type3A_193 = arith.extui %and3A_186 : i1 to i32
      %cond3A_194 = arith.constant 0 : i32
      %cond3A_195 = arith.cmpi ne, %convert_element_type3A_193, %cond3A_194 : i32
      scf.if %cond3A_195 {
        %dma_start3A_455 = arith.constant 0 : i32
        %dma_start3A_456 = tpu.memref_slice %arg7[%multiple_of3A_192, %dma_start3A_455] : memref<67x1024xf32, #tpu.memory_space<vmem>> -> memref<16x1024xf32, #tpu.memory_space<vmem>>
        %dma_start3A_457 = arith.constant 0 : i32
        %dma_start3A_458 = tpu.memref_slice %arg3[%multiple_of3A_187, %dma_start3A_457] : memref<8194x1024xf32, #tpu.memory_space<hbm>> -> memref<16x1024xf32, #tpu.memory_space<hbm>>
        %dma_start3A_459 = arith.constant 0 : i32
        %dma_start3A_460 = tpu.memref_slice %arg7[%multiple_of3A_192, %dma_start3A_459] : memref<67x1024xf32, #tpu.memory_space<vmem>> -> memref<16x1024xf32, #tpu.memory_space<vmem>>
        %dma_start3A_461 = arith.constant 0 : i32
        %dma_start3A_462 = tpu.memref_slice %arg3[%multiple_of3A_187, %dma_start3A_461] : memref<8194x1024xf32, #tpu.memory_space<hbm>> -> memref<16x1024xf32, #tpu.memory_space<hbm>>
        tpu.enqueue_dma source(%dma_start3A_462 : memref<16x1024xf32, #tpu.memory_space<hbm>>) target(%dma_start3A_460 : memref<16x1024xf32, #tpu.memory_space<vmem>>) target_semaphore(%arg10 : memref<!tpu.dma_semaphore, #tpu.memory_space<semaphore_mem>>)
      } else {
      }
      %add3A_196 = arith.constant 16 : i32
      %add3A_197 = arith.addi %scan3A_147, %add3A_196 : i32
      %select_n3A_198 = arith.select %and3A_186, %add3A_197, %scan3A_147 : i32
      %add3A_199 = arith.constant 32 : i32
      %add3A_200 = arith.addi %min3A_166, %add3A_199 : i32
      %lt3A_201 = arith.cmpi slt, %select_n3A_198, %add3A_200 : i32
      %le3A_202 = arith.constant 8176 : i32
      %le3A_203 = arith.cmpi sle, %select_n3A_198, %le3A_202 : i32
      %and3A_204 = arith.andi %lt3A_201, %le3A_203 : i1
      %multiple_of3A_205 = tpu.assume_multiple %select_n3A_198, 8 : i32
      %sub3A_206 = arith.subi %multiple_of3A_205, %multiple_of3A : i32
      %and3A_207 = arith.constant -64 : i32
      %and3A_208 = arith.andi %sub3A_206, %and3A_207 : i32
      %sub3A_209 = arith.subi %sub3A_206, %and3A_208 : i32
      %multiple_of3A_210 = tpu.assume_multiple %sub3A_209, 8 : i32
      %convert_element_type3A_211 = arith.extui %and3A_204 : i1 to i32
      %cond3A_212 = arith.constant 0 : i32
      %cond3A_213 = arith.cmpi ne, %convert_element_type3A_211, %cond3A_212 : i32
      scf.if %cond3A_213 {
        %dma_start3A_455 = arith.constant 0 : i32
        %dma_start3A_456 = tpu.memref_slice %arg7[%multiple_of3A_210, %dma_start3A_455] : memref<67x1024xf32, #tpu.memory_space<vmem>> -> memref<16x1024xf32, #tpu.memory_space<vmem>>
        %dma_start3A_457 = arith.constant 0 : i32
        %dma_start3A_458 = tpu.memref_slice %arg3[%multiple_of3A_205, %dma_start3A_457] : memref<8194x1024xf32, #tpu.memory_space<hbm>> -> memref<16x1024xf32, #tpu.memory_space<hbm>>
        %dma_start3A_459 = arith.constant 0 : i32
        %dma_start3A_460 = tpu.memref_slice %arg7[%multiple_of3A_210, %dma_start3A_459] : memref<67x1024xf32, #tpu.memory_space<vmem>> -> memref<16x1024xf32, #tpu.memory_space<vmem>>
        %dma_start3A_461 = arith.constant 0 : i32
        %dma_start3A_462 = tpu.memref_slice %arg3[%multiple_of3A_205, %dma_start3A_461] : memref<8194x1024xf32, #tpu.memory_space<hbm>> -> memref<16x1024xf32, #tpu.memory_space<hbm>>
        tpu.enqueue_dma source(%dma_start3A_462 : memref<16x1024xf32, #tpu.memory_space<hbm>>) target(%dma_start3A_460 : memref<16x1024xf32, #tpu.memory_space<vmem>>) target_semaphore(%arg10 : memref<!tpu.dma_semaphore, #tpu.memory_space<semaphore_mem>>)
      } else {
      }
      %add3A_214 = arith.constant 16 : i32
      %add3A_215 = arith.addi %select_n3A_198, %add3A_214 : i32
      %select_n3A_216 = arith.select %and3A_204, %add3A_215, %select_n3A_198 : i32
      %broadcast_in_dim3A_217 = arith.constant true
      %broadcast_in_dim3A_218 = vector.broadcast %broadcast_in_dim3A_217 : i1 to vector<16xi1>
      %masked_cumsum3A = tpu.scan <sum>, %get3A_157 masked %broadcast_in_dim3A_218 : vector<16xi32>, vector<16xi1> -> vector<16xi32>
      %add3A_219 = arith.constant 1 : i32
      %add3A_220 = arith.addi %scan3A_144, %add3A_219 : i32
      %add3A_221 = vector.broadcast %add3A_220 : i32 to vector<16xi32>
      %add3A_222 = arith.addi %add3A_221, %masked_cumsum3A : vector<16xi32>
      %sub3A_223 = vector.broadcast %multiple_of3A : i32 to vector<16xi32>
      %sub3A_224 = arith.subi %add3A_222, %sub3A_223 : vector<16xi32>
      %and3A_225 = arith.constant 63 : i32
      %and3A_226 = vector.broadcast %and3A_225 : i32 to vector<16xi32>
      %and3A_227 = arith.andi %sub3A_224, %and3A_226 : vector<16xi32>
      %eq3A_228 = arith.constant 0 : i32
      %eq3A_229 = vector.broadcast %eq3A_228 : i32 to vector<16xi32>
      %eq3A_230 = arith.cmpi eq, %get3A_157, %eq3A_229 : vector<16xi32>
      %ge3A = arith.constant 8192 : i32
      %ge3A_231 = vector.broadcast %ge3A : i32 to vector<16xi32>
      %ge3A_232 = arith.cmpi sge, %add3A_222, %ge3A_231 : vector<16xi32>
      %sub3A_233 = arith.constant 8127 : i32
      %sub3A_234 = vector.broadcast %sub3A_233 : i32 to vector<16xi32>
      %sub3A_235 = arith.subi %add3A_222, %sub3A_234 : vector<16xi32>
      %select_n3A_236 = arith.select %ge3A_232, %sub3A_235, %and3A_227 : vector<16xi1>, vector<16xi32>
      %jit3A_237 = arith.constant 64 : i32
      %broadcast_in_dim3A_238 = vector.broadcast %jit3A_237 : i32 to vector<16xi32>
      %select_n3A_239 = arith.select %eq3A_230, %broadcast_in_dim3A_238, %select_n3A_236 : vector<16xi1>, vector<16xi32>
      %slice3A = vector.extract_strided_slice %select_n3A_239 {offsets = [0], sizes = [1], strides = [1]} : vector<16xi32> to vector<1xi32>
      %squeeze3A = vector.extract %slice3A[0] : i32 from vector<1xi32>
      %slice3A_240 = vector.extract_strided_slice %select_n3A_239 {offsets = [1], sizes = [1], strides = [1]} : vector<16xi32> to vector<1xi32>
      %squeeze3A_241 = vector.extract %slice3A_240[0] : i32 from vector<1xi32>
      %slice3A_242 = vector.extract_strided_slice %select_n3A_239 {offsets = [2], sizes = [1], strides = [1]} : vector<16xi32> to vector<1xi32>
      %squeeze3A_243 = vector.extract %slice3A_242[0] : i32 from vector<1xi32>
      %slice3A_244 = vector.extract_strided_slice %select_n3A_239 {offsets = [3], sizes = [1], strides = [1]} : vector<16xi32> to vector<1xi32>
      %squeeze3A_245 = vector.extract %slice3A_244[0] : i32 from vector<1xi32>
      %slice3A_246 = vector.extract_strided_slice %select_n3A_239 {offsets = [4], sizes = [1], strides = [1]} : vector<16xi32> to vector<1xi32>
      %squeeze3A_247 = vector.extract %slice3A_246[0] : i32 from vector<1xi32>
      %slice3A_248 = vector.extract_strided_slice %select_n3A_239 {offsets = [5], sizes = [1], strides = [1]} : vector<16xi32> to vector<1xi32>
      %squeeze3A_249 = vector.extract %slice3A_248[0] : i32 from vector<1xi32>
      %slice3A_250 = vector.extract_strided_slice %select_n3A_239 {offsets = [6], sizes = [1], strides = [1]} : vector<16xi32> to vector<1xi32>
      %squeeze3A_251 = vector.extract %slice3A_250[0] : i32 from vector<1xi32>
      %slice3A_252 = vector.extract_strided_slice %select_n3A_239 {offsets = [7], sizes = [1], strides = [1]} : vector<16xi32> to vector<1xi32>
      %squeeze3A_253 = vector.extract %slice3A_252[0] : i32 from vector<1xi32>
      %slice3A_254 = vector.extract_strided_slice %select_n3A_239 {offsets = [8], sizes = [1], strides = [1]} : vector<16xi32> to vector<1xi32>
      %squeeze3A_255 = vector.extract %slice3A_254[0] : i32 from vector<1xi32>
      %slice3A_256 = vector.extract_strided_slice %select_n3A_239 {offsets = [9], sizes = [1], strides = [1]} : vector<16xi32> to vector<1xi32>
      %squeeze3A_257 = vector.extract %slice3A_256[0] : i32 from vector<1xi32>
      %slice3A_258 = vector.extract_strided_slice %select_n3A_239 {offsets = [10], sizes = [1], strides = [1]} : vector<16xi32> to vector<1xi32>
      %squeeze3A_259 = vector.extract %slice3A_258[0] : i32 from vector<1xi32>
      %slice3A_260 = vector.extract_strided_slice %select_n3A_239 {offsets = [11], sizes = [1], strides = [1]} : vector<16xi32> to vector<1xi32>
      %squeeze3A_261 = vector.extract %slice3A_260[0] : i32 from vector<1xi32>
      %slice3A_262 = vector.extract_strided_slice %select_n3A_239 {offsets = [12], sizes = [1], strides = [1]} : vector<16xi32> to vector<1xi32>
      %squeeze3A_263 = vector.extract %slice3A_262[0] : i32 from vector<1xi32>
      %slice3A_264 = vector.extract_strided_slice %select_n3A_239 {offsets = [13], sizes = [1], strides = [1]} : vector<16xi32> to vector<1xi32>
      %squeeze3A_265 = vector.extract %slice3A_264[0] : i32 from vector<1xi32>
      %slice3A_266 = vector.extract_strided_slice %select_n3A_239 {offsets = [14], sizes = [1], strides = [1]} : vector<16xi32> to vector<1xi32>
      %squeeze3A_267 = vector.extract %slice3A_266[0] : i32 from vector<1xi32>
      %slice3A_268 = vector.extract_strided_slice %select_n3A_239 {offsets = [15], sizes = [1], strides = [1]} : vector<16xi32> to vector<1xi32>
      %squeeze3A_269 = vector.extract %slice3A_268[0] : i32 from vector<1xi32>
      %gt3A = arith.constant 0 : i32
      %gt3A_270 = arith.cmpi sgt, %scan3A_143, %gt3A : i32
      %convert_element_type3A_271 = arith.extui %gt3A_270 : i1 to i32
      %cond3A_272 = arith.constant 0 : i32
      %cond3A_273 = arith.cmpi ne, %convert_element_type3A_271, %cond3A_272 : i32
      scf.if %cond3A_273 {
        %dma_wait3A_455 = arith.constant 0 : i32
        %dma_wait3A_456 = tpu.memref_slice %arg4[%arg0, %mul3A_34, %dma_wait3A_455] : memref<2x8192x1024xf32, #tpu.memory_space<hbm>> -> memref<1x16x1024xf32, #tpu.memory_space<hbm>>
        %dma_wait3A_457 = tpu.memref_squeeze %dma_wait3A_456 : memref<1x16x1024xf32, #tpu.memory_space<hbm>> -> memref<16x1024xf32, #tpu.memory_space<hbm>>
        %dma_wait3A_458 = arith.constant 0 : i32
        %dma_wait3A_459 = tpu.memref_slice %arg4[%arg0, %mul3A_34, %dma_wait3A_458] : memref<2x8192x1024xf32, #tpu.memory_space<hbm>> -> memref<1x16x1024xf32, #tpu.memory_space<hbm>>
        %dma_wait3A_460 = tpu.memref_squeeze %dma_wait3A_459 : memref<1x16x1024xf32, #tpu.memory_space<hbm>> -> memref<16x1024xf32, #tpu.memory_space<hbm>>
        tpu.wait_dma2 semaphore(%arg11 : memref<!tpu.dma_semaphore, #tpu.memory_space<semaphore_mem>>) src(%arg8 : memref<16x1024xf32, #tpu.memory_space<vmem>>) dst(%dma_wait3A_460 : memref<16x1024xf32, #tpu.memory_space<hbm>>)
      } else {
      }
      %parallel_loop3A = arith.constant 0 : i32
      %parallel_loop3A_274 = arith.constant 64 : i32
      %parallel_loop3A_275 = arith.constant 1 : i32
      scf.for %parallel_loop3A_455 = %parallel_loop3A to %parallel_loop3A_274 step %parallel_loop3A_275  : i32 {
        %parallel_loop3A_456 = arith.constant 16 : i32
        %parallel_loop3A_457 = arith.muli %parallel_loop3A_455, %parallel_loop3A_456 : i32
        %parallel_loop3A_458 = arith.index_cast %squeeze3A : i32 to index
        %parallel_loop3A_459 = arith.index_cast %parallel_loop3A_457 : i32 to index
        %parallel_loop3A_460 = tpu.vector_load %arg7[%parallel_loop3A_458, %parallel_loop3A_459] {strides = array<i32>} : memref<67x1024xf32, #tpu.memory_space<vmem>>, vector<16xf32>,
        %parallel_loop3A_461 = arith.constant 0 : i32
        %parallel_loop3A_462 = arith.index_cast %parallel_loop3A_461 : i32 to index
        %parallel_loop3A_463 = arith.index_cast %parallel_loop3A_457 : i32 to index
        %parallel_loop3A_464 = tpu.vector_load %arg8[%parallel_loop3A_462, %parallel_loop3A_463] {strides = array<i32>} : memref<16x1024xf32, #tpu.memory_space<vmem>>, vector<16xf32>,
        tpu.vector_store %arg8[%parallel_loop3A_462, %parallel_loop3A_463], %parallel_loop3A_460 {strides = array<i32>} : memref<16x1024xf32, #tpu.memory_space<vmem>>, vector<16xf32>,
        %parallel_loop3A_465 = arith.index_cast %squeeze3A_241 : i32 to index
        %parallel_loop3A_466 = arith.index_cast %parallel_loop3A_457 : i32 to index
        %parallel_loop3A_467 = tpu.vector_load %arg7[%parallel_loop3A_465, %parallel_loop3A_466] {strides = array<i32>} : memref<67x1024xf32, #tpu.memory_space<vmem>>, vector<16xf32>,
        %parallel_loop3A_468 = arith.constant 1 : i32
        %parallel_loop3A_469 = arith.index_cast %parallel_loop3A_468 : i32 to index
        %parallel_loop3A_470 = arith.index_cast %parallel_loop3A_457 : i32 to index
        %parallel_loop3A_471 = tpu.vector_load %arg8[%parallel_loop3A_469, %parallel_loop3A_470] {strides = array<i32>} : memref<16x1024xf32, #tpu.memory_space<vmem>>, vector<16xf32>,
        tpu.vector_store %arg8[%parallel_loop3A_469, %parallel_loop3A_470], %parallel_loop3A_467 {strides = array<i32>} : memref<16x1024xf32, #tpu.memory_space<vmem>>, vector<16xf32>,
        %parallel_loop3A_472 = arith.index_cast %squeeze3A_243 : i32 to index
        %parallel_loop3A_473 = arith.index_cast %parallel_loop3A_457 : i32 to index
        %parallel_loop3A_474 = tpu.vector_load %arg7[%parallel_loop3A_472, %parallel_loop3A_473] {strides = array<i32>} : memref<67x1024xf32, #tpu.memory_space<vmem>>, vector<16xf32>,
        %parallel_loop3A_475 = arith.constant 2 : i32
        %parallel_loop3A_476 = arith.index_cast %parallel_loop3A_475 : i32 to index
        %parallel_loop3A_477 = arith.index_cast %parallel_loop3A_457 : i32 to index
        %parallel_loop3A_478 = tpu.vector_load %arg8[%parallel_loop3A_476, %parallel_loop3A_477] {strides = array<i32>} : memref<16x1024xf32, #tpu.memory_space<vmem>>, vector<16xf32>,
        tpu.vector_store %arg8[%parallel_loop3A_476, %parallel_loop3A_477], %parallel_loop3A_474 {strides = array<i32>} : memref<16x1024xf32, #tpu.memory_space<vmem>>, vector<16xf32>,
        %parallel_loop3A_479 = arith.index_cast %squeeze3A_245 : i32 to index
        %parallel_loop3A_480 = arith.index_cast %parallel_loop3A_457 : i32 to index
        %parallel_loop3A_481 = tpu.vector_load %arg7[%parallel_loop3A_479, %parallel_loop3A_480] {strides = array<i32>} : memref<67x1024xf32, #tpu.memory_space<vmem>>, vector<16xf32>,
        %parallel_loop3A_482 = arith.constant 3 : i32
        %parallel_loop3A_483 = arith.index_cast %parallel_loop3A_482 : i32 to index
        %parallel_loop3A_484 = arith.index_cast %parallel_loop3A_457 : i32 to index
        %parallel_loop3A_485 = tpu.vector_load %arg8[%parallel_loop3A_483, %parallel_loop3A_484] {strides = array<i32>} : memref<16x1024xf32, #tpu.memory_space<vmem>>, vector<16xf32>,
        tpu.vector_store %arg8[%parallel_loop3A_483, %parallel_loop3A_484], %parallel_loop3A_481 {strides = array<i32>} : memref<16x1024xf32, #tpu.memory_space<vmem>>, vector<16xf32>,
        %parallel_loop3A_486 = arith.index_cast %squeeze3A_247 : i32 to index
        %parallel_loop3A_487 = arith.index_cast %parallel_loop3A_457 : i32 to index
        %parallel_loop3A_488 = tpu.vector_load %arg7[%parallel_loop3A_486, %parallel_loop3A_487] {strides = array<i32>} : memref<67x1024xf32, #tpu.memory_space<vmem>>, vector<16xf32>,
        %parallel_loop3A_489 = arith.constant 4 : i32
        %parallel_loop3A_490 = arith.index_cast %parallel_loop3A_489 : i32 to index
        %parallel_loop3A_491 = arith.index_cast %parallel_loop3A_457 : i32 to index
        %parallel_loop3A_492 = tpu.vector_load %arg8[%parallel_loop3A_490, %parallel_loop3A_491] {strides = array<i32>} : memref<16x1024xf32, #tpu.memory_space<vmem>>, vector<16xf32>,
        tpu.vector_store %arg8[%parallel_loop3A_490, %parallel_loop3A_491], %parallel_loop3A_488 {strides = array<i32>} : memref<16x1024xf32, #tpu.memory_space<vmem>>, vector<16xf32>,
        %parallel_loop3A_493 = arith.index_cast %squeeze3A_249 : i32 to index
        %parallel_loop3A_494 = arith.index_cast %parallel_loop3A_457 : i32 to index
        %parallel_loop3A_495 = tpu.vector_load %arg7[%parallel_loop3A_493, %parallel_loop3A_494] {strides = array<i32>} : memref<67x1024xf32, #tpu.memory_space<vmem>>, vector<16xf32>,
        %parallel_loop3A_496 = arith.constant 5 : i32
        %parallel_loop3A_497 = arith.index_cast %parallel_loop3A_496 : i32 to index
        %parallel_loop3A_498 = arith.index_cast %parallel_loop3A_457 : i32 to index
        %parallel_loop3A_499 = tpu.vector_load %arg8[%parallel_loop3A_497, %parallel_loop3A_498] {strides = array<i32>} : memref<16x1024xf32, #tpu.memory_space<vmem>>, vector<16xf32>,
        tpu.vector_store %arg8[%parallel_loop3A_497, %parallel_loop3A_498], %parallel_loop3A_495 {strides = array<i32>} : memref<16x1024xf32, #tpu.memory_space<vmem>>, vector<16xf32>,
        %parallel_loop3A_500 = arith.index_cast %squeeze3A_251 : i32 to index
        %parallel_loop3A_501 = arith.index_cast %parallel_loop3A_457 : i32 to index
        %parallel_loop3A_502 = tpu.vector_load %arg7[%parallel_loop3A_500, %parallel_loop3A_501] {strides = array<i32>} : memref<67x1024xf32, #tpu.memory_space<vmem>>, vector<16xf32>,
        %parallel_loop3A_503 = arith.constant 6 : i32
        %parallel_loop3A_504 = arith.index_cast %parallel_loop3A_503 : i32 to index
        %parallel_loop3A_505 = arith.index_cast %parallel_loop3A_457 : i32 to index
        %parallel_loop3A_506 = tpu.vector_load %arg8[%parallel_loop3A_504, %parallel_loop3A_505] {strides = array<i32>} : memref<16x1024xf32, #tpu.memory_space<vmem>>, vector<16xf32>,
        tpu.vector_store %arg8[%parallel_loop3A_504, %parallel_loop3A_505], %parallel_loop3A_502 {strides = array<i32>} : memref<16x1024xf32, #tpu.memory_space<vmem>>, vector<16xf32>,
        %parallel_loop3A_507 = arith.index_cast %squeeze3A_253 : i32 to index
        %parallel_loop3A_508 = arith.index_cast %parallel_loop3A_457 : i32 to index
        %parallel_loop3A_509 = tpu.vector_load %arg7[%parallel_loop3A_507, %parallel_loop3A_508] {strides = array<i32>} : memref<67x1024xf32, #tpu.memory_space<vmem>>, vector<16xf32>,
        %parallel_loop3A_510 = arith.constant 7 : i32
        %parallel_loop3A_511 = arith.index_cast %parallel_loop3A_510 : i32 to index
        %parallel_loop3A_512 = arith.index_cast %parallel_loop3A_457 : i32 to index
        %parallel_loop3A_513 = tpu.vector_load %arg8[%parallel_loop3A_511, %parallel_loop3A_512] {strides = array<i32>} : memref<16x1024xf32, #tpu.memory_space<vmem>>, vector<16xf32>,
        tpu.vector_store %arg8[%parallel_loop3A_511, %parallel_loop3A_512], %parallel_loop3A_509 {strides = array<i32>} : memref<16x1024xf32, #tpu.memory_space<vmem>>, vector<16xf32>,
        %parallel_loop3A_514 = arith.index_cast %squeeze3A_255 : i32 to index
        %parallel_loop3A_515 = arith.index_cast %parallel_loop3A_457 : i32 to index
        %parallel_loop3A_516 = tpu.vector_load %arg7[%parallel_loop3A_514, %parallel_loop3A_515] {strides = array<i32>} : memref<67x1024xf32, #tpu.memory_space<vmem>>, vector<16xf32>,
        %parallel_loop3A_517 = arith.constant 8 : i32
        %parallel_loop3A_518 = arith.index_cast %parallel_loop3A_517 : i32 to index
        %parallel_loop3A_519 = arith.index_cast %parallel_loop3A_457 : i32 to index
        %parallel_loop3A_520 = tpu.vector_load %arg8[%parallel_loop3A_518, %parallel_loop3A_519] {strides = array<i32>} : memref<16x1024xf32, #tpu.memory_space<vmem>>, vector<16xf32>,
        tpu.vector_store %arg8[%parallel_loop3A_518, %parallel_loop3A_519], %parallel_loop3A_516 {strides = array<i32>} : memref<16x1024xf32, #tpu.memory_space<vmem>>, vector<16xf32>,
        %parallel_loop3A_521 = arith.index_cast %squeeze3A_257 : i32 to index
        %parallel_loop3A_522 = arith.index_cast %parallel_loop3A_457 : i32 to index
        %parallel_loop3A_523 = tpu.vector_load %arg7[%parallel_loop3A_521, %parallel_loop3A_522] {strides = array<i32>} : memref<67x1024xf32, #tpu.memory_space<vmem>>, vector<16xf32>,
        %parallel_loop3A_524 = arith.constant 9 : i32
        %parallel_loop3A_525 = arith.index_cast %parallel_loop3A_524 : i32 to index
        %parallel_loop3A_526 = arith.index_cast %parallel_loop3A_457 : i32 to index
        %parallel_loop3A_527 = tpu.vector_load %arg8[%parallel_loop3A_525, %parallel_loop3A_526] {strides = array<i32>} : memref<16x1024xf32, #tpu.memory_space<vmem>>, vector<16xf32>,
        tpu.vector_store %arg8[%parallel_loop3A_525, %parallel_loop3A_526], %parallel_loop3A_523 {strides = array<i32>} : memref<16x1024xf32, #tpu.memory_space<vmem>>, vector<16xf32>,
        %parallel_loop3A_528 = arith.index_cast %squeeze3A_259 : i32 to index
        %parallel_loop3A_529 = arith.index_cast %parallel_loop3A_457 : i32 to index
        %parallel_loop3A_530 = tpu.vector_load %arg7[%parallel_loop3A_528, %parallel_loop3A_529] {strides = array<i32>} : memref<67x1024xf32, #tpu.memory_space<vmem>>, vector<16xf32>,
        %parallel_loop3A_531 = arith.constant 10 : i32
        %parallel_loop3A_532 = arith.index_cast %parallel_loop3A_531 : i32 to index
        %parallel_loop3A_533 = arith.index_cast %parallel_loop3A_457 : i32 to index
        %parallel_loop3A_534 = tpu.vector_load %arg8[%parallel_loop3A_532, %parallel_loop3A_533] {strides = array<i32>} : memref<16x1024xf32, #tpu.memory_space<vmem>>, vector<16xf32>,
        tpu.vector_store %arg8[%parallel_loop3A_532, %parallel_loop3A_533], %parallel_loop3A_530 {strides = array<i32>} : memref<16x1024xf32, #tpu.memory_space<vmem>>, vector<16xf32>,
        %parallel_loop3A_535 = arith.index_cast %squeeze3A_261 : i32 to index
        %parallel_loop3A_536 = arith.index_cast %parallel_loop3A_457 : i32 to index
        %parallel_loop3A_537 = tpu.vector_load %arg7[%parallel_loop3A_535, %parallel_loop3A_536] {strides = array<i32>} : memref<67x1024xf32, #tpu.memory_space<vmem>>, vector<16xf32>,
        %parallel_loop3A_538 = arith.constant 11 : i32
        %parallel_loop3A_539 = arith.index_cast %parallel_loop3A_538 : i32 to index
        %parallel_loop3A_540 = arith.index_cast %parallel_loop3A_457 : i32 to index
        %parallel_loop3A_541 = tpu.vector_load %arg8[%parallel_loop3A_539, %parallel_loop3A_540] {strides = array<i32>} : memref<16x1024xf32, #tpu.memory_space<vmem>>, vector<16xf32>,
        tpu.vector_store %arg8[%parallel_loop3A_539, %parallel_loop3A_540], %parallel_loop3A_537 {strides = array<i32>} : memref<16x1024xf32, #tpu.memory_space<vmem>>, vector<16xf32>,
        %parallel_loop3A_542 = arith.index_cast %squeeze3A_263 : i32 to index
        %parallel_loop3A_543 = arith.index_cast %parallel_loop3A_457 : i32 to index
        %parallel_loop3A_544 = tpu.vector_load %arg7[%parallel_loop3A_542, %parallel_loop3A_543] {strides = array<i32>} : memref<67x1024xf32, #tpu.memory_space<vmem>>, vector<16xf32>,
        %parallel_loop3A_545 = arith.constant 12 : i32
        %parallel_loop3A_546 = arith.index_cast %parallel_loop3A_545 : i32 to index
        %parallel_loop3A_547 = arith.index_cast %parallel_loop3A_457 : i32 to index
        %parallel_loop3A_548 = tpu.vector_load %arg8[%parallel_loop3A_546, %parallel_loop3A_547] {strides = array<i32>} : memref<16x1024xf32, #tpu.memory_space<vmem>>, vector<16xf32>,
        tpu.vector_store %arg8[%parallel_loop3A_546, %parallel_loop3A_547], %parallel_loop3A_544 {strides = array<i32>} : memref<16x1024xf32, #tpu.memory_space<vmem>>, vector<16xf32>,
        %parallel_loop3A_549 = arith.index_cast %squeeze3A_265 : i32 to index
        %parallel_loop3A_550 = arith.index_cast %parallel_loop3A_457 : i32 to index
        %parallel_loop3A_551 = tpu.vector_load %arg7[%parallel_loop3A_549, %parallel_loop3A_550] {strides = array<i32>} : memref<67x1024xf32, #tpu.memory_space<vmem>>, vector<16xf32>,
        %parallel_loop3A_552 = arith.constant 13 : i32
        %parallel_loop3A_553 = arith.index_cast %parallel_loop3A_552 : i32 to index
        %parallel_loop3A_554 = arith.index_cast %parallel_loop3A_457 : i32 to index
        %parallel_loop3A_555 = tpu.vector_load %arg8[%parallel_loop3A_553, %parallel_loop3A_554] {strides = array<i32>} : memref<16x1024xf32, #tpu.memory_space<vmem>>, vector<16xf32>,
        tpu.vector_store %arg8[%parallel_loop3A_553, %parallel_loop3A_554], %parallel_loop3A_551 {strides = array<i32>} : memref<16x1024xf32, #tpu.memory_space<vmem>>, vector<16xf32>,
        %parallel_loop3A_556 = arith.index_cast %squeeze3A_267 : i32 to index
        %parallel_loop3A_557 = arith.index_cast %parallel_loop3A_457 : i32 to index
        %parallel_loop3A_558 = tpu.vector_load %arg7[%parallel_loop3A_556, %parallel_loop3A_557] {strides = array<i32>} : memref<67x1024xf32, #tpu.memory_space<vmem>>, vector<16xf32>,
        %parallel_loop3A_559 = arith.constant 14 : i32
        %parallel_loop3A_560 = arith.index_cast %parallel_loop3A_559 : i32 to index
        %parallel_loop3A_561 = arith.index_cast %parallel_loop3A_457 : i32 to index
        %parallel_loop3A_562 = tpu.vector_load %arg8[%parallel_loop3A_560, %parallel_loop3A_561] {strides = array<i32>} : memref<16x1024xf32, #tpu.memory_space<vmem>>, vector<16xf32>,
        tpu.vector_store %arg8[%parallel_loop3A_560, %parallel_loop3A_561], %parallel_loop3A_558 {strides = array<i32>} : memref<16x1024xf32, #tpu.memory_space<vmem>>, vector<16xf32>,
        %parallel_loop3A_563 = arith.index_cast %squeeze3A_269 : i32 to index
        %parallel_loop3A_564 = arith.index_cast %parallel_loop3A_457 : i32 to index
        %parallel_loop3A_565 = tpu.vector_load %arg7[%parallel_loop3A_563, %parallel_loop3A_564] {strides = array<i32>} : memref<67x1024xf32, #tpu.memory_space<vmem>>, vector<16xf32>,
        %parallel_loop3A_566 = arith.constant 15 : i32
        %parallel_loop3A_567 = arith.index_cast %parallel_loop3A_566 : i32 to index
        %parallel_loop3A_568 = arith.index_cast %parallel_loop3A_457 : i32 to index
        %parallel_loop3A_569 = tpu.vector_load %arg8[%parallel_loop3A_567, %parallel_loop3A_568] {strides = array<i32>} : memref<16x1024xf32, #tpu.memory_space<vmem>>, vector<16xf32>,
        tpu.vector_store %arg8[%parallel_loop3A_567, %parallel_loop3A_568], %parallel_loop3A_565 {strides = array<i32>} : memref<16x1024xf32, #tpu.memory_space<vmem>>, vector<16xf32>,
      } {sc.loop_unroll_factor = 1 : i64, sc.parallel_access}
      %mul3A_276 = arith.constant 16 : i32
      %mul3A_277 = arith.muli %add3A_152, %mul3A_276 : i32
      %add3A_278 = arith.addi %mul3A_34, %mul3A_277 : i32
      %dma_start3A_279 = arith.constant 0 : i32
      %dma_start3A_280 = tpu.memref_slice %arg4[%arg0, %add3A_278, %dma_start3A_279] : memref<2x8192x1024xf32, #tpu.memory_space<hbm>> -> memref<1x16x1024xf32, #tpu.memory_space<hbm>>
      %dma_start3A_281 = tpu.memref_squeeze %dma_start3A_280 : memref<1x16x1024xf32, #tpu.memory_space<hbm>> -> memref<16x1024xf32, #tpu.memory_space<hbm>>
      %dma_start3A_282 = arith.constant 0 : i32
      %dma_start3A_283 = tpu.memref_slice %arg4[%arg0, %add3A_278, %dma_start3A_282] : memref<2x8192x1024xf32, #tpu.memory_space<hbm>> -> memref<1x16x1024xf32, #tpu.memory_space<hbm>>
      %dma_start3A_284 = tpu.memref_squeeze %dma_start3A_283 : memref<1x16x1024xf32, #tpu.memory_space<hbm>> -> memref<16x1024xf32, #tpu.memory_space<hbm>>
      tpu.enqueue_dma source(%arg8 : memref<16x1024xf32, #tpu.memory_space<vmem>>) target(%dma_start3A_284 : memref<16x1024xf32, #tpu.memory_space<hbm>>) target_semaphore(%arg11 : memref<!tpu.dma_semaphore, #tpu.memory_space<semaphore_mem>>)
      %add3A_285 = arith.constant 2 : i32
      %add3A_286 = arith.addi %add3A_152, %add3A_285 : i32
      %mul3A_287 = arith.constant 16 : i32
      %mul3A_288 = arith.muli %add3A_286, %mul3A_287 : i32
      %add3A_289 = arith.addi %mul3A_34, %mul3A_288 : i32
      %min3A_290 = arith.constant 8176 : i32
      %min3A_291 = arith.minsi %add3A_289, %min3A_290 : i32
      %get3A_292 = arith.index_cast %min3A_291 : i32 to index
      %get3A_293 = tpu.vector_load %arg5[%get3A_292] {strides = array<i32>} : memref<8192xi32, #tpu.memory_space<vmem>>, vector<16xi32>,
      %reduce_sum3A_294 = arith.constant true
      %reduce_sum3A_295 = vector.broadcast %reduce_sum3A_294 : i1 to vector<16xi1>
      %reduce_sum3A_296 = tpu.scan <sum>, %get3A_293 masked %reduce_sum3A_295 : vector<16xi32>, vector<16xi1> -> vector<16xi32>
      %reduce_sum3A_297 = vector.extract %reduce_sum3A_296[15] : i32 from vector<16xi32>
      %add3A_298 = arith.addi %scan3A_146, %reduce_sum3A_297 : i32
      %mul3A_299 = arith.constant 2 : i32
      %mul3A_300 = arith.muli %scan3A_143, %mul3A_299 : i32
      %add3A_301 = arith.constant 1 : i32
      %add3A_302 = arith.addi %mul3A_300, %add3A_301 : i32
      %mul3A_303 = arith.constant 16 : i32
      %mul3A_304 = arith.muli %add3A_302, %mul3A_303 : i32
      %add3A_305 = arith.addi %mul3A_34, %mul3A_304 : i32
      %get3A_306 = arith.index_cast %add3A_305 : i32 to index
      %get3A_307 = tpu.vector_load %arg5[%get3A_306] {strides = array<i32>} : memref<8192xi32, #tpu.memory_space<vmem>>, vector<16xi32>,
      %reduce_sum3A_308 = arith.constant true
      %reduce_sum3A_309 = vector.broadcast %reduce_sum3A_308 : i1 to vector<16xi1>
      %reduce_sum3A_310 = tpu.scan <sum>, %get3A_307 masked %reduce_sum3A_309 : vector<16xi32>, vector<16xi1> -> vector<16xi32>
      %reduce_sum3A_311 = vector.extract %reduce_sum3A_310[15] : i32 from vector<16xi32>
      %add3A_312 = arith.addi %scan3A_145, %reduce_sum3A_311 : i32
      %add3A_313 = arith.constant 2 : i32
      %add3A_314 = arith.addi %add3A_312, %add3A_313 : i32
      %min3A_315 = arith.constant 8192 : i32
      %min3A_316 = arith.minsi %add3A_314, %min3A_315 : i32
      %lt3A_317 = arith.cmpi slt, %select_n3A_180, %min3A_316 : i32
      %convert_element_type3A_318 = arith.extui %lt3A_317 : i1 to i32
      %cond3A_319 = arith.constant 0 : i32
      %cond3A_320 = arith.cmpi ne, %convert_element_type3A_318, %cond3A_319 : i32
      scf.if %cond3A_320 {
        %dma_wait3A_455 = arith.constant 0 : i32
        %dma_wait3A_456 = arith.constant 0 : i32
        %dma_wait3A_457 = tpu.memref_slice %arg7[%dma_wait3A_455, %dma_wait3A_456] : memref<67x1024xf32, #tpu.memory_space<vmem>> -> memref<16x1024xf32, #tpu.memory_space<vmem>>
        %dma_wait3A_458 = arith.constant 0 : i32
        %dma_wait3A_459 = arith.constant 0 : i32
        %dma_wait3A_460 = tpu.memref_slice %arg3[%dma_wait3A_458, %dma_wait3A_459] : memref<8194x1024xf32, #tpu.memory_space<hbm>> -> memref<16x1024xf32, #tpu.memory_space<hbm>>
        %dma_wait3A_461 = arith.constant 0 : i32
        %dma_wait3A_462 = arith.constant 0 : i32
        %dma_wait3A_463 = tpu.memref_slice %arg7[%dma_wait3A_461, %dma_wait3A_462] : memref<67x1024xf32, #tpu.memory_space<vmem>> -> memref<16x1024xf32, #tpu.memory_space<vmem>>
        %dma_wait3A_464 = arith.constant 0 : i32
        %dma_wait3A_465 = arith.constant 0 : i32
        %dma_wait3A_466 = tpu.memref_slice %arg3[%dma_wait3A_464, %dma_wait3A_465] : memref<8194x1024xf32, #tpu.memory_space<hbm>> -> memref<16x1024xf32, #tpu.memory_space<hbm>>
        tpu.wait_dma2 semaphore(%arg10 : memref<!tpu.dma_semaphore, #tpu.memory_space<semaphore_mem>>) src(%dma_wait3A_466 : memref<16x1024xf32, #tpu.memory_space<hbm>>) dst(%dma_wait3A_463 : memref<16x1024xf32, #tpu.memory_space<vmem>>)
      } else {
      }
      %add3A_321 = arith.constant 16 : i32
      %add3A_322 = arith.addi %select_n3A_180, %add3A_321 : i32
      %select_n3A_323 = arith.select %lt3A_317, %add3A_322, %select_n3A_180 : i32
      %lt3A_324 = arith.cmpi slt, %select_n3A_323, %min3A_316 : i32
      %convert_element_type3A_325 = arith.extui %lt3A_324 : i1 to i32
      %cond3A_326 = arith.constant 0 : i32
      %cond3A_327 = arith.cmpi ne, %convert_element_type3A_325, %cond3A_326 : i32
      scf.if %cond3A_327 {
        %dma_wait3A_455 = arith.constant 0 : i32
        %dma_wait3A_456 = arith.constant 0 : i32
        %dma_wait3A_457 = tpu.memref_slice %arg7[%dma_wait3A_455, %dma_wait3A_456] : memref<67x1024xf32, #tpu.memory_space<vmem>> -> memref<16x1024xf32, #tpu.memory_space<vmem>>
        %dma_wait3A_458 = arith.constant 0 : i32
        %dma_wait3A_459 = arith.constant 0 : i32
        %dma_wait3A_460 = tpu.memref_slice %arg3[%dma_wait3A_458, %dma_wait3A_459] : memref<8194x1024xf32, #tpu.memory_space<hbm>> -> memref<16x1024xf32, #tpu.memory_space<hbm>>
        %dma_wait3A_461 = arith.constant 0 : i32
        %dma_wait3A_462 = arith.constant 0 : i32
        %dma_wait3A_463 = tpu.memref_slice %arg7[%dma_wait3A_461, %dma_wait3A_462] : memref<67x1024xf32, #tpu.memory_space<vmem>> -> memref<16x1024xf32, #tpu.memory_space<vmem>>
        %dma_wait3A_464 = arith.constant 0 : i32
        %dma_wait3A_465 = arith.constant 0 : i32
        %dma_wait3A_466 = tpu.memref_slice %arg3[%dma_wait3A_464, %dma_wait3A_465] : memref<8194x1024xf32, #tpu.memory_space<hbm>> -> memref<16x1024xf32, #tpu.memory_space<hbm>>
        tpu.wait_dma2 semaphore(%arg10 : memref<!tpu.dma_semaphore, #tpu.memory_space<semaphore_mem>>) src(%dma_wait3A_466 : memref<16x1024xf32, #tpu.memory_space<hbm>>) dst(%dma_wait3A_463 : memref<16x1024xf32, #tpu.memory_space<vmem>>)
      } else {
      }
      %add3A_328 = arith.constant 16 : i32
      %add3A_329 = arith.addi %select_n3A_323, %add3A_328 : i32
      %select_n3A_330 = arith.select %lt3A_324, %add3A_329, %select_n3A_323 : i32
      %add3A_331 = arith.constant 32 : i32
      %add3A_332 = arith.addi %min3A_316, %add3A_331 : i32
      %lt3A_333 = arith.cmpi slt, %select_n3A_216, %add3A_332 : i32
      %le3A_334 = arith.constant 8176 : i32
      %le3A_335 = arith.cmpi sle, %select_n3A_216, %le3A_334 : i32
      %and3A_336 = arith.andi %lt3A_333, %le3A_335 : i1
      %multiple_of3A_337 = tpu.assume_multiple %select_n3A_216, 8 : i32
      %sub3A_338 = arith.subi %multiple_of3A_337, %multiple_of3A : i32
      %and3A_339 = arith.constant -64 : i32
      %and3A_340 = arith.andi %sub3A_338, %and3A_339 : i32
      %sub3A_341 = arith.subi %sub3A_338, %and3A_340 : i32
      %multiple_of3A_342 = tpu.assume_multiple %sub3A_341, 8 : i32
      %convert_element_type3A_343 = arith.extui %and3A_336 : i1 to i32
      %cond3A_344 = arith.constant 0 : i32
      %cond3A_345 = arith.cmpi ne, %convert_element_type3A_343, %cond3A_344 : i32
      scf.if %cond3A_345 {
        %dma_start3A_455 = arith.constant 0 : i32
        %dma_start3A_456 = tpu.memref_slice %arg7[%multiple_of3A_342, %dma_start3A_455] : memref<67x1024xf32, #tpu.memory_space<vmem>> -> memref<16x1024xf32, #tpu.memory_space<vmem>>
        %dma_start3A_457 = arith.constant 0 : i32
        %dma_start3A_458 = tpu.memref_slice %arg3[%multiple_of3A_337, %dma_start3A_457] : memref<8194x1024xf32, #tpu.memory_space<hbm>> -> memref<16x1024xf32, #tpu.memory_space<hbm>>
        %dma_start3A_459 = arith.constant 0 : i32
        %dma_start3A_460 = tpu.memref_slice %arg7[%multiple_of3A_342, %dma_start3A_459] : memref<67x1024xf32, #tpu.memory_space<vmem>> -> memref<16x1024xf32, #tpu.memory_space<vmem>>
        %dma_start3A_461 = arith.constant 0 : i32
        %dma_start3A_462 = tpu.memref_slice %arg3[%multiple_of3A_337, %dma_start3A_461] : memref<8194x1024xf32, #tpu.memory_space<hbm>> -> memref<16x1024xf32, #tpu.memory_space<hbm>>
        tpu.enqueue_dma source(%dma_start3A_462 : memref<16x1024xf32, #tpu.memory_space<hbm>>) target(%dma_start3A_460 : memref<16x1024xf32, #tpu.memory_space<vmem>>) target_semaphore(%arg10 : memref<!tpu.dma_semaphore, #tpu.memory_space<semaphore_mem>>)
      } else {
      }
      %add3A_346 = arith.constant 16 : i32
      %add3A_347 = arith.addi %select_n3A_216, %add3A_346 : i32
      %select_n3A_348 = arith.select %and3A_336, %add3A_347, %select_n3A_216 : i32
      %add3A_349 = arith.constant 32 : i32
      %add3A_350 = arith.addi %min3A_316, %add3A_349 : i32
      %lt3A_351 = arith.cmpi slt, %select_n3A_348, %add3A_350 : i32
      %le3A_352 = arith.constant 8176 : i32
      %le3A_353 = arith.cmpi sle, %select_n3A_348, %le3A_352 : i32
      %and3A_354 = arith.andi %lt3A_351, %le3A_353 : i1
      %multiple_of3A_355 = tpu.assume_multiple %select_n3A_348, 8 : i32
      %sub3A_356 = arith.subi %multiple_of3A_355, %multiple_of3A : i32
      %and3A_357 = arith.constant -64 : i32
      %and3A_358 = arith.andi %sub3A_356, %and3A_357 : i32
      %sub3A_359 = arith.subi %sub3A_356, %and3A_358 : i32
      %multiple_of3A_360 = tpu.assume_multiple %sub3A_359, 8 : i32
      %convert_element_type3A_361 = arith.extui %and3A_354 : i1 to i32
      %cond3A_362 = arith.constant 0 : i32
      %cond3A_363 = arith.cmpi ne, %convert_element_type3A_361, %cond3A_362 : i32
      scf.if %cond3A_363 {
        %dma_start3A_455 = arith.constant 0 : i32
        %dma_start3A_456 = tpu.memref_slice %arg7[%multiple_of3A_360, %dma_start3A_455] : memref<67x1024xf32, #tpu.memory_space<vmem>> -> memref<16x1024xf32, #tpu.memory_space<vmem>>
        %dma_start3A_457 = arith.constant 0 : i32
        %dma_start3A_458 = tpu.memref_slice %arg3[%multiple_of3A_355, %dma_start3A_457] : memref<8194x1024xf32, #tpu.memory_space<hbm>> -> memref<16x1024xf32, #tpu.memory_space<hbm>>
        %dma_start3A_459 = arith.constant 0 : i32
        %dma_start3A_460 = tpu.memref_slice %arg7[%multiple_of3A_360, %dma_start3A_459] : memref<67x1024xf32, #tpu.memory_space<vmem>> -> memref<16x1024xf32, #tpu.memory_space<vmem>>
        %dma_start3A_461 = arith.constant 0 : i32
        %dma_start3A_462 = tpu.memref_slice %arg3[%multiple_of3A_355, %dma_start3A_461] : memref<8194x1024xf32, #tpu.memory_space<hbm>> -> memref<16x1024xf32, #tpu.memory_space<hbm>>
        tpu.enqueue_dma source(%dma_start3A_462 : memref<16x1024xf32, #tpu.memory_space<hbm>>) target(%dma_start3A_460 : memref<16x1024xf32, #tpu.memory_space<vmem>>) target_semaphore(%arg10 : memref<!tpu.dma_semaphore, #tpu.memory_space<semaphore_mem>>)
      } else {
      }
      %add3A_364 = arith.constant 16 : i32
      %add3A_365 = arith.addi %select_n3A_348, %add3A_364 : i32
      %select_n3A_366 = arith.select %and3A_354, %add3A_365, %select_n3A_348 : i32
      %broadcast_in_dim3A_367 = arith.constant true
      %broadcast_in_dim3A_368 = vector.broadcast %broadcast_in_dim3A_367 : i1 to vector<16xi1>
      %masked_cumsum3A_369 = tpu.scan <sum>, %get3A_307 masked %broadcast_in_dim3A_368 : vector<16xi32>, vector<16xi1> -> vector<16xi32>
      %add3A_370 = arith.constant 1 : i32
      %add3A_371 = arith.addi %scan3A_145, %add3A_370 : i32
      %add3A_372 = vector.broadcast %add3A_371 : i32 to vector<16xi32>
      %add3A_373 = arith.addi %add3A_372, %masked_cumsum3A_369 : vector<16xi32>
      %sub3A_374 = vector.broadcast %multiple_of3A : i32 to vector<16xi32>
      %sub3A_375 = arith.subi %add3A_373, %sub3A_374 : vector<16xi32>
      %and3A_376 = arith.constant 63 : i32
      %and3A_377 = vector.broadcast %and3A_376 : i32 to vector<16xi32>
      %and3A_378 = arith.andi %sub3A_375, %and3A_377 : vector<16xi32>
      %eq3A_379 = arith.constant 0 : i32
      %eq3A_380 = vector.broadcast %eq3A_379 : i32 to vector<16xi32>
      %eq3A_381 = arith.cmpi eq, %get3A_307, %eq3A_380 : vector<16xi32>
      %ge3A_382 = arith.constant 8192 : i32
      %ge3A_383 = vector.broadcast %ge3A_382 : i32 to vector<16xi32>
      %ge3A_384 = arith.cmpi sge, %add3A_373, %ge3A_383 : vector<16xi32>
      %sub3A_385 = arith.constant 8127 : i32
      %sub3A_386 = vector.broadcast %sub3A_385 : i32 to vector<16xi32>
      %sub3A_387 = arith.subi %add3A_373, %sub3A_386 : vector<16xi32>
      %select_n3A_388 = arith.select %ge3A_384, %sub3A_387, %and3A_378 : vector<16xi1>, vector<16xi32>
      %jit3A_389 = arith.constant 64 : i32
      %broadcast_in_dim3A_390 = vector.broadcast %jit3A_389 : i32 to vector<16xi32>
      %select_n3A_391 = arith.select %eq3A_381, %broadcast_in_dim3A_390, %select_n3A_388 : vector<16xi1>, vector<16xi32>
      %slice3A_392 = vector.extract_strided_slice %select_n3A_391 {offsets = [0], sizes = [1], strides = [1]} : vector<16xi32> to vector<1xi32>
      %squeeze3A_393 = vector.extract %slice3A_392[0] : i32 from vector<1xi32>
      %slice3A_394 = vector.extract_strided_slice %select_n3A_391 {offsets = [1], sizes = [1], strides = [1]} : vector<16xi32> to vector<1xi32>
      %squeeze3A_395 = vector.extract %slice3A_394[0] : i32 from vector<1xi32>
      %slice3A_396 = vector.extract_strided_slice %select_n3A_391 {offsets = [2], sizes = [1], strides = [1]} : vector<16xi32> to vector<1xi32>
      %squeeze3A_397 = vector.extract %slice3A_396[0] : i32 from vector<1xi32>
      %slice3A_398 = vector.extract_strided_slice %select_n3A_391 {offsets = [3], sizes = [1], strides = [1]} : vector<16xi32> to vector<1xi32>
      %squeeze3A_399 = vector.extract %slice3A_398[0] : i32 from vector<1xi32>
      %slice3A_400 = vector.extract_strided_slice %select_n3A_391 {offsets = [4], sizes = [1], strides = [1]} : vector<16xi32> to vector<1xi32>
      %squeeze3A_401 = vector.extract %slice3A_400[0] : i32 from vector<1xi32>
      %slice3A_402 = vector.extract_strided_slice %select_n3A_391 {offsets = [5], sizes = [1], strides = [1]} : vector<16xi32> to vector<1xi32>
      %squeeze3A_403 = vector.extract %slice3A_402[0] : i32 from vector<1xi32>
      %slice3A_404 = vector.extract_strided_slice %select_n3A_391 {offsets = [6], sizes = [1], strides = [1]} : vector<16xi32> to vector<1xi32>
      %squeeze3A_405 = vector.extract %slice3A_404[0] : i32 from vector<1xi32>
      %slice3A_406 = vector.extract_strided_slice %select_n3A_391 {offsets = [7], sizes = [1], strides = [1]} : vector<16xi32> to vector<1xi32>
      %squeeze3A_407 = vector.extract %slice3A_406[0] : i32 from vector<1xi32>
      %slice3A_408 = vector.extract_strided_slice %select_n3A_391 {offsets = [8], sizes = [1], strides = [1]} : vector<16xi32> to vector<1xi32>
      %squeeze3A_409 = vector.extract %slice3A_408[0] : i32 from vector<1xi32>
      %slice3A_410 = vector.extract_strided_slice %select_n3A_391 {offsets = [9], sizes = [1], strides = [1]} : vector<16xi32> to vector<1xi32>
      %squeeze3A_411 = vector.extract %slice3A_410[0] : i32 from vector<1xi32>
      %slice3A_412 = vector.extract_strided_slice %select_n3A_391 {offsets = [10], sizes = [1], strides = [1]} : vector<16xi32> to vector<1xi32>
      %squeeze3A_413 = vector.extract %slice3A_412[0] : i32 from vector<1xi32>
      %slice3A_414 = vector.extract_strided_slice %select_n3A_391 {offsets = [11], sizes = [1], strides = [1]} : vector<16xi32> to vector<1xi32>
      %squeeze3A_415 = vector.extract %slice3A_414[0] : i32 from vector<1xi32>
      %slice3A_416 = vector.extract_strided_slice %select_n3A_391 {offsets = [12], sizes = [1], strides = [1]} : vector<16xi32> to vector<1xi32>
      %squeeze3A_417 = vector.extract %slice3A_416[0] : i32 from vector<1xi32>
      %slice3A_418 = vector.extract_strided_slice %select_n3A_391 {offsets = [13], sizes = [1], strides = [1]} : vector<16xi32> to vector<1xi32>
      %squeeze3A_419 = vector.extract %slice3A_418[0] : i32 from vector<1xi32>
      %slice3A_420 = vector.extract_strided_slice %select_n3A_391 {offsets = [14], sizes = [1], strides = [1]} : vector<16xi32> to vector<1xi32>
      %squeeze3A_421 = vector.extract %slice3A_420[0] : i32 from vector<1xi32>
      %slice3A_422 = vector.extract_strided_slice %select_n3A_391 {offsets = [15], sizes = [1], strides = [1]} : vector<16xi32> to vector<1xi32>
      %squeeze3A_423 = vector.extract %slice3A_422[0] : i32 from vector<1xi32>
      %gt3A_424 = arith.constant 0 : i32
      %gt3A_425 = arith.cmpi sgt, %scan3A_143, %gt3A_424 : i32
      %convert_element_type3A_426 = arith.extui %gt3A_425 : i1 to i32
      %cond3A_427 = arith.constant 0 : i32
      %cond3A_428 = arith.cmpi ne, %convert_element_type3A_426, %cond3A_427 : i32
      scf.if %cond3A_428 {
        %dma_wait3A_455 = arith.constant 0 : i32
        %dma_wait3A_456 = tpu.memref_slice %arg4[%arg0, %mul3A_34, %dma_wait3A_455] : memref<2x8192x1024xf32, #tpu.memory_space<hbm>> -> memref<1x16x1024xf32, #tpu.memory_space<hbm>>
        %dma_wait3A_457 = tpu.memref_squeeze %dma_wait3A_456 : memref<1x16x1024xf32, #tpu.memory_space<hbm>> -> memref<16x1024xf32, #tpu.memory_space<hbm>>
        %dma_wait3A_458 = arith.constant 0 : i32
        %dma_wait3A_459 = tpu.memref_slice %arg4[%arg0, %mul3A_34, %dma_wait3A_458] : memref<2x8192x1024xf32, #tpu.memory_space<hbm>> -> memref<1x16x1024xf32, #tpu.memory_space<hbm>>
        %dma_wait3A_460 = tpu.memref_squeeze %dma_wait3A_459 : memref<1x16x1024xf32, #tpu.memory_space<hbm>> -> memref<16x1024xf32, #tpu.memory_space<hbm>>
        tpu.wait_dma2 semaphore(%arg12 : memref<!tpu.dma_semaphore, #tpu.memory_space<semaphore_mem>>) src(%arg9 : memref<16x1024xf32, #tpu.memory_space<vmem>>) dst(%dma_wait3A_460 : memref<16x1024xf32, #tpu.memory_space<hbm>>)
      } else {
      }
      %parallel_loop3A_429 = arith.constant 0 : i32
      %parallel_loop3A_430 = arith.constant 64 : i32
      %parallel_loop3A_431 = arith.constant 1 : i32
      scf.for %parallel_loop3A_455 = %parallel_loop3A_429 to %parallel_loop3A_430 step %parallel_loop3A_431  : i32 {
        %parallel_loop3A_456 = arith.constant 16 : i32
        %parallel_loop3A_457 = arith.muli %parallel_loop3A_455, %parallel_loop3A_456 : i32
        %parallel_loop3A_458 = arith.index_cast %squeeze3A_393 : i32 to index
        %parallel_loop3A_459 = arith.index_cast %parallel_loop3A_457 : i32 to index
        %parallel_loop3A_460 = tpu.vector_load %arg7[%parallel_loop3A_458, %parallel_loop3A_459] {strides = array<i32>} : memref<67x1024xf32, #tpu.memory_space<vmem>>, vector<16xf32>,
        %parallel_loop3A_461 = arith.constant 0 : i32
        %parallel_loop3A_462 = arith.index_cast %parallel_loop3A_461 : i32 to index
        %parallel_loop3A_463 = arith.index_cast %parallel_loop3A_457 : i32 to index
        %parallel_loop3A_464 = tpu.vector_load %arg9[%parallel_loop3A_462, %parallel_loop3A_463] {strides = array<i32>} : memref<16x1024xf32, #tpu.memory_space<vmem>>, vector<16xf32>,
        tpu.vector_store %arg9[%parallel_loop3A_462, %parallel_loop3A_463], %parallel_loop3A_460 {strides = array<i32>} : memref<16x1024xf32, #tpu.memory_space<vmem>>, vector<16xf32>,
        %parallel_loop3A_465 = arith.index_cast %squeeze3A_395 : i32 to index
        %parallel_loop3A_466 = arith.index_cast %parallel_loop3A_457 : i32 to index
        %parallel_loop3A_467 = tpu.vector_load %arg7[%parallel_loop3A_465, %parallel_loop3A_466] {strides = array<i32>} : memref<67x1024xf32, #tpu.memory_space<vmem>>, vector<16xf32>,
        %parallel_loop3A_468 = arith.constant 1 : i32
        %parallel_loop3A_469 = arith.index_cast %parallel_loop3A_468 : i32 to index
        %parallel_loop3A_470 = arith.index_cast %parallel_loop3A_457 : i32 to index
        %parallel_loop3A_471 = tpu.vector_load %arg9[%parallel_loop3A_469, %parallel_loop3A_470] {strides = array<i32>} : memref<16x1024xf32, #tpu.memory_space<vmem>>, vector<16xf32>,
        tpu.vector_store %arg9[%parallel_loop3A_469, %parallel_loop3A_470], %parallel_loop3A_467 {strides = array<i32>} : memref<16x1024xf32, #tpu.memory_space<vmem>>, vector<16xf32>,
        %parallel_loop3A_472 = arith.index_cast %squeeze3A_397 : i32 to index
        %parallel_loop3A_473 = arith.index_cast %parallel_loop3A_457 : i32 to index
        %parallel_loop3A_474 = tpu.vector_load %arg7[%parallel_loop3A_472, %parallel_loop3A_473] {strides = array<i32>} : memref<67x1024xf32, #tpu.memory_space<vmem>>, vector<16xf32>,
        %parallel_loop3A_475 = arith.constant 2 : i32
        %parallel_loop3A_476 = arith.index_cast %parallel_loop3A_475 : i32 to index
        %parallel_loop3A_477 = arith.index_cast %parallel_loop3A_457 : i32 to index
        %parallel_loop3A_478 = tpu.vector_load %arg9[%parallel_loop3A_476, %parallel_loop3A_477] {strides = array<i32>} : memref<16x1024xf32, #tpu.memory_space<vmem>>, vector<16xf32>,
        tpu.vector_store %arg9[%parallel_loop3A_476, %parallel_loop3A_477], %parallel_loop3A_474 {strides = array<i32>} : memref<16x1024xf32, #tpu.memory_space<vmem>>, vector<16xf32>,
        %parallel_loop3A_479 = arith.index_cast %squeeze3A_399 : i32 to index
        %parallel_loop3A_480 = arith.index_cast %parallel_loop3A_457 : i32 to index
        %parallel_loop3A_481 = tpu.vector_load %arg7[%parallel_loop3A_479, %parallel_loop3A_480] {strides = array<i32>} : memref<67x1024xf32, #tpu.memory_space<vmem>>, vector<16xf32>,
        %parallel_loop3A_482 = arith.constant 3 : i32
        %parallel_loop3A_483 = arith.index_cast %parallel_loop3A_482 : i32 to index
        %parallel_loop3A_484 = arith.index_cast %parallel_loop3A_457 : i32 to index
        %parallel_loop3A_485 = tpu.vector_load %arg9[%parallel_loop3A_483, %parallel_loop3A_484] {strides = array<i32>} : memref<16x1024xf32, #tpu.memory_space<vmem>>, vector<16xf32>,
        tpu.vector_store %arg9[%parallel_loop3A_483, %parallel_loop3A_484], %parallel_loop3A_481 {strides = array<i32>} : memref<16x1024xf32, #tpu.memory_space<vmem>>, vector<16xf32>,
        %parallel_loop3A_486 = arith.index_cast %squeeze3A_401 : i32 to index
        %parallel_loop3A_487 = arith.index_cast %parallel_loop3A_457 : i32 to index
        %parallel_loop3A_488 = tpu.vector_load %arg7[%parallel_loop3A_486, %parallel_loop3A_487] {strides = array<i32>} : memref<67x1024xf32, #tpu.memory_space<vmem>>, vector<16xf32>,
        %parallel_loop3A_489 = arith.constant 4 : i32
        %parallel_loop3A_490 = arith.index_cast %parallel_loop3A_489 : i32 to index
        %parallel_loop3A_491 = arith.index_cast %parallel_loop3A_457 : i32 to index
        %parallel_loop3A_492 = tpu.vector_load %arg9[%parallel_loop3A_490, %parallel_loop3A_491] {strides = array<i32>} : memref<16x1024xf32, #tpu.memory_space<vmem>>, vector<16xf32>,
        tpu.vector_store %arg9[%parallel_loop3A_490, %parallel_loop3A_491], %parallel_loop3A_488 {strides = array<i32>} : memref<16x1024xf32, #tpu.memory_space<vmem>>, vector<16xf32>,
        %parallel_loop3A_493 = arith.index_cast %squeeze3A_403 : i32 to index
        %parallel_loop3A_494 = arith.index_cast %parallel_loop3A_457 : i32 to index
        %parallel_loop3A_495 = tpu.vector_load %arg7[%parallel_loop3A_493, %parallel_loop3A_494] {strides = array<i32>} : memref<67x1024xf32, #tpu.memory_space<vmem>>, vector<16xf32>,
        %parallel_loop3A_496 = arith.constant 5 : i32
        %parallel_loop3A_497 = arith.index_cast %parallel_loop3A_496 : i32 to index
        %parallel_loop3A_498 = arith.index_cast %parallel_loop3A_457 : i32 to index
        %parallel_loop3A_499 = tpu.vector_load %arg9[%parallel_loop3A_497, %parallel_loop3A_498] {strides = array<i32>} : memref<16x1024xf32, #tpu.memory_space<vmem>>, vector<16xf32>,
        tpu.vector_store %arg9[%parallel_loop3A_497, %parallel_loop3A_498], %parallel_loop3A_495 {strides = array<i32>} : memref<16x1024xf32, #tpu.memory_space<vmem>>, vector<16xf32>,
        %parallel_loop3A_500 = arith.index_cast %squeeze3A_405 : i32 to index
        %parallel_loop3A_501 = arith.index_cast %parallel_loop3A_457 : i32 to index
        %parallel_loop3A_502 = tpu.vector_load %arg7[%parallel_loop3A_500, %parallel_loop3A_501] {strides = array<i32>} : memref<67x1024xf32, #tpu.memory_space<vmem>>, vector<16xf32>,
        %parallel_loop3A_503 = arith.constant 6 : i32
        %parallel_loop3A_504 = arith.index_cast %parallel_loop3A_503 : i32 to index
        %parallel_loop3A_505 = arith.index_cast %parallel_loop3A_457 : i32 to index
        %parallel_loop3A_506 = tpu.vector_load %arg9[%parallel_loop3A_504, %parallel_loop3A_505] {strides = array<i32>} : memref<16x1024xf32, #tpu.memory_space<vmem>>, vector<16xf32>,
        tpu.vector_store %arg9[%parallel_loop3A_504, %parallel_loop3A_505], %parallel_loop3A_502 {strides = array<i32>} : memref<16x1024xf32, #tpu.memory_space<vmem>>, vector<16xf32>,
        %parallel_loop3A_507 = arith.index_cast %squeeze3A_407 : i32 to index
        %parallel_loop3A_508 = arith.index_cast %parallel_loop3A_457 : i32 to index
        %parallel_loop3A_509 = tpu.vector_load %arg7[%parallel_loop3A_507, %parallel_loop3A_508] {strides = array<i32>} : memref<67x1024xf32, #tpu.memory_space<vmem>>, vector<16xf32>,
        %parallel_loop3A_510 = arith.constant 7 : i32
        %parallel_loop3A_511 = arith.index_cast %parallel_loop3A_510 : i32 to index
        %parallel_loop3A_512 = arith.index_cast %parallel_loop3A_457 : i32 to index
        %parallel_loop3A_513 = tpu.vector_load %arg9[%parallel_loop3A_511, %parallel_loop3A_512] {strides = array<i32>} : memref<16x1024xf32, #tpu.memory_space<vmem>>, vector<16xf32>,
        tpu.vector_store %arg9[%parallel_loop3A_511, %parallel_loop3A_512], %parallel_loop3A_509 {strides = array<i32>} : memref<16x1024xf32, #tpu.memory_space<vmem>>, vector<16xf32>,
        %parallel_loop3A_514 = arith.index_cast %squeeze3A_409 : i32 to index
        %parallel_loop3A_515 = arith.index_cast %parallel_loop3A_457 : i32 to index
        %parallel_loop3A_516 = tpu.vector_load %arg7[%parallel_loop3A_514, %parallel_loop3A_515] {strides = array<i32>} : memref<67x1024xf32, #tpu.memory_space<vmem>>, vector<16xf32>,
        %parallel_loop3A_517 = arith.constant 8 : i32
        %parallel_loop3A_518 = arith.index_cast %parallel_loop3A_517 : i32 to index
        %parallel_loop3A_519 = arith.index_cast %parallel_loop3A_457 : i32 to index
        %parallel_loop3A_520 = tpu.vector_load %arg9[%parallel_loop3A_518, %parallel_loop3A_519] {strides = array<i32>} : memref<16x1024xf32, #tpu.memory_space<vmem>>, vector<16xf32>,
        tpu.vector_store %arg9[%parallel_loop3A_518, %parallel_loop3A_519], %parallel_loop3A_516 {strides = array<i32>} : memref<16x1024xf32, #tpu.memory_space<vmem>>, vector<16xf32>,
        %parallel_loop3A_521 = arith.index_cast %squeeze3A_411 : i32 to index
        %parallel_loop3A_522 = arith.index_cast %parallel_loop3A_457 : i32 to index
        %parallel_loop3A_523 = tpu.vector_load %arg7[%parallel_loop3A_521, %parallel_loop3A_522] {strides = array<i32>} : memref<67x1024xf32, #tpu.memory_space<vmem>>, vector<16xf32>,
        %parallel_loop3A_524 = arith.constant 9 : i32
        %parallel_loop3A_525 = arith.index_cast %parallel_loop3A_524 : i32 to index
        %parallel_loop3A_526 = arith.index_cast %parallel_loop3A_457 : i32 to index
        %parallel_loop3A_527 = tpu.vector_load %arg9[%parallel_loop3A_525, %parallel_loop3A_526] {strides = array<i32>} : memref<16x1024xf32, #tpu.memory_space<vmem>>, vector<16xf32>,
        tpu.vector_store %arg9[%parallel_loop3A_525, %parallel_loop3A_526], %parallel_loop3A_523 {strides = array<i32>} : memref<16x1024xf32, #tpu.memory_space<vmem>>, vector<16xf32>,
        %parallel_loop3A_528 = arith.index_cast %squeeze3A_413 : i32 to index
        %parallel_loop3A_529 = arith.index_cast %parallel_loop3A_457 : i32 to index
        %parallel_loop3A_530 = tpu.vector_load %arg7[%parallel_loop3A_528, %parallel_loop3A_529] {strides = array<i32>} : memref<67x1024xf32, #tpu.memory_space<vmem>>, vector<16xf32>,
        %parallel_loop3A_531 = arith.constant 10 : i32
        %parallel_loop3A_532 = arith.index_cast %parallel_loop3A_531 : i32 to index
        %parallel_loop3A_533 = arith.index_cast %parallel_loop3A_457 : i32 to index
        %parallel_loop3A_534 = tpu.vector_load %arg9[%parallel_loop3A_532, %parallel_loop3A_533] {strides = array<i32>} : memref<16x1024xf32, #tpu.memory_space<vmem>>, vector<16xf32>,
        tpu.vector_store %arg9[%parallel_loop3A_532, %parallel_loop3A_533], %parallel_loop3A_530 {strides = array<i32>} : memref<16x1024xf32, #tpu.memory_space<vmem>>, vector<16xf32>,
        %parallel_loop3A_535 = arith.index_cast %squeeze3A_415 : i32 to index
        %parallel_loop3A_536 = arith.index_cast %parallel_loop3A_457 : i32 to index
        %parallel_loop3A_537 = tpu.vector_load %arg7[%parallel_loop3A_535, %parallel_loop3A_536] {strides = array<i32>} : memref<67x1024xf32, #tpu.memory_space<vmem>>, vector<16xf32>,
        %parallel_loop3A_538 = arith.constant 11 : i32
        %parallel_loop3A_539 = arith.index_cast %parallel_loop3A_538 : i32 to index
        %parallel_loop3A_540 = arith.index_cast %parallel_loop3A_457 : i32 to index
        %parallel_loop3A_541 = tpu.vector_load %arg9[%parallel_loop3A_539, %parallel_loop3A_540] {strides = array<i32>} : memref<16x1024xf32, #tpu.memory_space<vmem>>, vector<16xf32>,
        tpu.vector_store %arg9[%parallel_loop3A_539, %parallel_loop3A_540], %parallel_loop3A_537 {strides = array<i32>} : memref<16x1024xf32, #tpu.memory_space<vmem>>, vector<16xf32>,
        %parallel_loop3A_542 = arith.index_cast %squeeze3A_417 : i32 to index
        %parallel_loop3A_543 = arith.index_cast %parallel_loop3A_457 : i32 to index
        %parallel_loop3A_544 = tpu.vector_load %arg7[%parallel_loop3A_542, %parallel_loop3A_543] {strides = array<i32>} : memref<67x1024xf32, #tpu.memory_space<vmem>>, vector<16xf32>,
        %parallel_loop3A_545 = arith.constant 12 : i32
        %parallel_loop3A_546 = arith.index_cast %parallel_loop3A_545 : i32 to index
        %parallel_loop3A_547 = arith.index_cast %parallel_loop3A_457 : i32 to index
        %parallel_loop3A_548 = tpu.vector_load %arg9[%parallel_loop3A_546, %parallel_loop3A_547] {strides = array<i32>} : memref<16x1024xf32, #tpu.memory_space<vmem>>, vector<16xf32>,
        tpu.vector_store %arg9[%parallel_loop3A_546, %parallel_loop3A_547], %parallel_loop3A_544 {strides = array<i32>} : memref<16x1024xf32, #tpu.memory_space<vmem>>, vector<16xf32>,
        %parallel_loop3A_549 = arith.index_cast %squeeze3A_419 : i32 to index
        %parallel_loop3A_550 = arith.index_cast %parallel_loop3A_457 : i32 to index
        %parallel_loop3A_551 = tpu.vector_load %arg7[%parallel_loop3A_549, %parallel_loop3A_550] {strides = array<i32>} : memref<67x1024xf32, #tpu.memory_space<vmem>>, vector<16xf32>,
        %parallel_loop3A_552 = arith.constant 13 : i32
        %parallel_loop3A_553 = arith.index_cast %parallel_loop3A_552 : i32 to index
        %parallel_loop3A_554 = arith.index_cast %parallel_loop3A_457 : i32 to index
        %parallel_loop3A_555 = tpu.vector_load %arg9[%parallel_loop3A_553, %parallel_loop3A_554] {strides = array<i32>} : memref<16x1024xf32, #tpu.memory_space<vmem>>, vector<16xf32>,
        tpu.vector_store %arg9[%parallel_loop3A_553, %parallel_loop3A_554], %parallel_loop3A_551 {strides = array<i32>} : memref<16x1024xf32, #tpu.memory_space<vmem>>, vector<16xf32>,
        %parallel_loop3A_556 = arith.index_cast %squeeze3A_421 : i32 to index
        %parallel_loop3A_557 = arith.index_cast %parallel_loop3A_457 : i32 to index
        %parallel_loop3A_558 = tpu.vector_load %arg7[%parallel_loop3A_556, %parallel_loop3A_557] {strides = array<i32>} : memref<67x1024xf32, #tpu.memory_space<vmem>>, vector<16xf32>,
        %parallel_loop3A_559 = arith.constant 14 : i32
        %parallel_loop3A_560 = arith.index_cast %parallel_loop3A_559 : i32 to index
        %parallel_loop3A_561 = arith.index_cast %parallel_loop3A_457 : i32 to index
        %parallel_loop3A_562 = tpu.vector_load %arg9[%parallel_loop3A_560, %parallel_loop3A_561] {strides = array<i32>} : memref<16x1024xf32, #tpu.memory_space<vmem>>, vector<16xf32>,
        tpu.vector_store %arg9[%parallel_loop3A_560, %parallel_loop3A_561], %parallel_loop3A_558 {strides = array<i32>} : memref<16x1024xf32, #tpu.memory_space<vmem>>, vector<16xf32>,
        %parallel_loop3A_563 = arith.index_cast %squeeze3A_423 : i32 to index
        %parallel_loop3A_564 = arith.index_cast %parallel_loop3A_457 : i32 to index
        %parallel_loop3A_565 = tpu.vector_load %arg7[%parallel_loop3A_563, %parallel_loop3A_564] {strides = array<i32>} : memref<67x1024xf32, #tpu.memory_space<vmem>>, vector<16xf32>,
        %parallel_loop3A_566 = arith.constant 15 : i32
        %parallel_loop3A_567 = arith.index_cast %parallel_loop3A_566 : i32 to index
        %parallel_loop3A_568 = arith.index_cast %parallel_loop3A_457 : i32 to index
        %parallel_loop3A_569 = tpu.vector_load %arg9[%parallel_loop3A_567, %parallel_loop3A_568] {strides = array<i32>} : memref<16x1024xf32, #tpu.memory_space<vmem>>, vector<16xf32>,
        tpu.vector_store %arg9[%parallel_loop3A_567, %parallel_loop3A_568], %parallel_loop3A_565 {strides = array<i32>} : memref<16x1024xf32, #tpu.memory_space<vmem>>, vector<16xf32>,
      } {sc.loop_unroll_factor = 1 : i64, sc.parallel_access}
      %mul3A_432 = arith.constant 16 : i32
      %mul3A_433 = arith.muli %add3A_302, %mul3A_432 : i32
      %add3A_434 = arith.addi %mul3A_34, %mul3A_433 : i32
      %dma_start3A_435 = arith.constant 0 : i32
      %dma_start3A_436 = tpu.memref_slice %arg4[%arg0, %add3A_434, %dma_start3A_435] : memref<2x8192x1024xf32, #tpu.memory_space<hbm>> -> memref<1x16x1024xf32, #tpu.memory_space<hbm>>
      %dma_start3A_437 = tpu.memref_squeeze %dma_start3A_436 : memref<1x16x1024xf32, #tpu.memory_space<hbm>> -> memref<16x1024xf32, #tpu.memory_space<hbm>>
      %dma_start3A_438 = arith.constant 0 : i32
      %dma_start3A_439 = tpu.memref_slice %arg4[%arg0, %add3A_434, %dma_start3A_438] : memref<2x8192x1024xf32, #tpu.memory_space<hbm>> -> memref<1x16x1024xf32, #tpu.memory_space<hbm>>
      %dma_start3A_440 = tpu.memref_squeeze %dma_start3A_439 : memref<1x16x1024xf32, #tpu.memory_space<hbm>> -> memref<16x1024xf32, #tpu.memory_space<hbm>>
      tpu.enqueue_dma source(%arg9 : memref<16x1024xf32, #tpu.memory_space<vmem>>) target(%dma_start3A_440 : memref<16x1024xf32, #tpu.memory_space<hbm>>) target_semaphore(%arg12 : memref<!tpu.dma_semaphore, #tpu.memory_space<semaphore_mem>>)
      %add3A_441 = arith.constant 2 : i32
      %add3A_442 = arith.addi %add3A_302, %add3A_441 : i32
      %mul3A_443 = arith.constant 16 : i32
      %mul3A_444 = arith.muli %add3A_442, %mul3A_443 : i32
      %add3A_445 = arith.addi %mul3A_34, %mul3A_444 : i32
      %min3A_446 = arith.constant 8176 : i32
      %min3A_447 = arith.minsi %add3A_445, %min3A_446 : i32
      %get3A_448 = arith.index_cast %min3A_447 : i32 to index
      %get3A_449 = tpu.vector_load %arg5[%get3A_448] {strides = array<i32>} : memref<8192xi32, #tpu.memory_space<vmem>>, vector<16xi32>,
      %reduce_sum3A_450 = arith.constant true
      %reduce_sum3A_451 = vector.broadcast %reduce_sum3A_450 : i1 to vector<16xi1>
      %reduce_sum3A_452 = tpu.scan <sum>, %get3A_449 masked %reduce_sum3A_451 : vector<16xi32>, vector<16xi1> -> vector<16xi32>
      %reduce_sum3A_453 = vector.extract %reduce_sum3A_452[15] : i32 from vector<16xi32>
      %add3A_454 = arith.addi %add3A_298, %reduce_sum3A_453 : i32
      scf.yield %scan3A_146, %add3A_298, %add3A_454, %select_n3A_366, %select_n3A_330 : i32, i32, i32, i32, i32
    }
    %scan3A_109 = arith.constant 16 : i32
    %lt3A_110 = arith.cmpi slt, %scan3A_108#4, %scan3A_108#3 : i32
    %convert_element_type3A_111 = arith.extui %lt3A_110 : i1 to i32
    %cond3A_112 = arith.constant 0 : i32
    %cond3A_113 = arith.cmpi ne, %convert_element_type3A_111, %cond3A_112 : i32
    scf.if %cond3A_113 {
      %dma_wait3A_143 = arith.constant 0 : i32
      %dma_wait3A_144 = arith.constant 0 : i32
      %dma_wait3A_145 = tpu.memref_slice %arg7[%dma_wait3A_143, %dma_wait3A_144] : memref<67x1024xf32, #tpu.memory_space<vmem>> -> memref<16x1024xf32, #tpu.memory_space<vmem>>
      %dma_wait3A_146 = arith.constant 0 : i32
      %dma_wait3A_147 = arith.constant 0 : i32
      %dma_wait3A_148 = tpu.memref_slice %arg3[%dma_wait3A_146, %dma_wait3A_147] : memref<8194x1024xf32, #tpu.memory_space<hbm>> -> memref<16x1024xf32, #tpu.memory_space<hbm>>
      %dma_wait3A_149 = arith.constant 0 : i32
      %dma_wait3A_150 = arith.constant 0 : i32
      %dma_wait3A_151 = tpu.memref_slice %arg7[%dma_wait3A_149, %dma_wait3A_150] : memref<67x1024xf32, #tpu.memory_space<vmem>> -> memref<16x1024xf32, #tpu.memory_space<vmem>>
      %dma_wait3A_152 = arith.constant 0 : i32
      %dma_wait3A_153 = arith.constant 0 : i32
      %dma_wait3A_154 = tpu.memref_slice %arg3[%dma_wait3A_152, %dma_wait3A_153] : memref<8194x1024xf32, #tpu.memory_space<hbm>> -> memref<16x1024xf32, #tpu.memory_space<hbm>>
      tpu.wait_dma2 semaphore(%arg10 : memref<!tpu.dma_semaphore, #tpu.memory_space<semaphore_mem>>) src(%dma_wait3A_154 : memref<16x1024xf32, #tpu.memory_space<hbm>>) dst(%dma_wait3A_151 : memref<16x1024xf32, #tpu.memory_space<vmem>>)
    } else {
    }
    %add3A_114 = arith.constant 16 : i32
    %add3A_115 = arith.addi %scan3A_108#4, %add3A_114 : i32
    %select_n3A_116 = arith.select %lt3A_110, %add3A_115, %scan3A_108#4 : i32
    %lt3A_117 = arith.cmpi slt, %select_n3A_116, %scan3A_108#3 : i32
    %convert_element_type3A_118 = arith.extui %lt3A_117 : i1 to i32
    %cond3A_119 = arith.constant 0 : i32
    %cond3A_120 = arith.cmpi ne, %convert_element_type3A_118, %cond3A_119 : i32
    scf.if %cond3A_120 {
      %dma_wait3A_143 = arith.constant 0 : i32
      %dma_wait3A_144 = arith.constant 0 : i32
      %dma_wait3A_145 = tpu.memref_slice %arg7[%dma_wait3A_143, %dma_wait3A_144] : memref<67x1024xf32, #tpu.memory_space<vmem>> -> memref<16x1024xf32, #tpu.memory_space<vmem>>
      %dma_wait3A_146 = arith.constant 0 : i32
      %dma_wait3A_147 = arith.constant 0 : i32
      %dma_wait3A_148 = tpu.memref_slice %arg3[%dma_wait3A_146, %dma_wait3A_147] : memref<8194x1024xf32, #tpu.memory_space<hbm>> -> memref<16x1024xf32, #tpu.memory_space<hbm>>
      %dma_wait3A_149 = arith.constant 0 : i32
      %dma_wait3A_150 = arith.constant 0 : i32
      %dma_wait3A_151 = tpu.memref_slice %arg7[%dma_wait3A_149, %dma_wait3A_150] : memref<67x1024xf32, #tpu.memory_space<vmem>> -> memref<16x1024xf32, #tpu.memory_space<vmem>>
      %dma_wait3A_152 = arith.constant 0 : i32
      %dma_wait3A_153 = arith.constant 0 : i32
      %dma_wait3A_154 = tpu.memref_slice %arg3[%dma_wait3A_152, %dma_wait3A_153] : memref<8194x1024xf32, #tpu.memory_space<hbm>> -> memref<16x1024xf32, #tpu.memory_space<hbm>>
      tpu.wait_dma2 semaphore(%arg10 : memref<!tpu.dma_semaphore, #tpu.memory_space<semaphore_mem>>) src(%dma_wait3A_154 : memref<16x1024xf32, #tpu.memory_space<hbm>>) dst(%dma_wait3A_151 : memref<16x1024xf32, #tpu.memory_space<vmem>>)
    } else {
    }
    %add3A_121 = arith.constant 16 : i32
    %add3A_122 = arith.addi %select_n3A_116, %add3A_121 : i32
    %select_n3A_123 = arith.select %lt3A_117, %add3A_122, %select_n3A_116 : i32
    %lt3A_124 = arith.cmpi slt, %select_n3A_123, %scan3A_108#3 : i32
    %convert_element_type3A_125 = arith.extui %lt3A_124 : i1 to i32
    %cond3A_126 = arith.constant 0 : i32
    %cond3A_127 = arith.cmpi ne, %convert_element_type3A_125, %cond3A_126 : i32
    scf.if %cond3A_127 {
      %dma_wait3A_143 = arith.constant 0 : i32
      %dma_wait3A_144 = arith.constant 0 : i32
      %dma_wait3A_145 = tpu.memref_slice %arg7[%dma_wait3A_143, %dma_wait3A_144] : memref<67x1024xf32, #tpu.memory_space<vmem>> -> memref<16x1024xf32, #tpu.memory_space<vmem>>
      %dma_wait3A_146 = arith.constant 0 : i32
      %dma_wait3A_147 = arith.constant 0 : i32
      %dma_wait3A_148 = tpu.memref_slice %arg3[%dma_wait3A_146, %dma_wait3A_147] : memref<8194x1024xf32, #tpu.memory_space<hbm>> -> memref<16x1024xf32, #tpu.memory_space<hbm>>
      %dma_wait3A_149 = arith.constant 0 : i32
      %dma_wait3A_150 = arith.constant 0 : i32
      %dma_wait3A_151 = tpu.memref_slice %arg7[%dma_wait3A_149, %dma_wait3A_150] : memref<67x1024xf32, #tpu.memory_space<vmem>> -> memref<16x1024xf32, #tpu.memory_space<vmem>>
      %dma_wait3A_152 = arith.constant 0 : i32
      %dma_wait3A_153 = arith.constant 0 : i32
      %dma_wait3A_154 = tpu.memref_slice %arg3[%dma_wait3A_152, %dma_wait3A_153] : memref<8194x1024xf32, #tpu.memory_space<hbm>> -> memref<16x1024xf32, #tpu.memory_space<hbm>>
      tpu.wait_dma2 semaphore(%arg10 : memref<!tpu.dma_semaphore, #tpu.memory_space<semaphore_mem>>) src(%dma_wait3A_154 : memref<16x1024xf32, #tpu.memory_space<hbm>>) dst(%dma_wait3A_151 : memref<16x1024xf32, #tpu.memory_space<vmem>>)
    } else {
    }
    %add3A_128 = arith.constant 16 : i32
    %add3A_129 = arith.addi %select_n3A_123, %add3A_128 : i32
    %select_n3A_130 = arith.select %lt3A_124, %add3A_129, %select_n3A_123 : i32
    %dma_wait3A_131 = arith.constant 0 : i32
    %dma_wait3A_132 = tpu.memref_slice %arg4[%arg0, %mul3A_34, %dma_wait3A_131] : memref<2x8192x1024xf32, #tpu.memory_space<hbm>> -> memref<1x16x1024xf32, #tpu.memory_space<hbm>>
    %dma_wait3A_133 = tpu.memref_squeeze %dma_wait3A_132 : memref<1x16x1024xf32, #tpu.memory_space<hbm>> -> memref<16x1024xf32, #tpu.memory_space<hbm>>
    %dma_wait3A_134 = arith.constant 0 : i32
    %dma_wait3A_135 = tpu.memref_slice %arg4[%arg0, %mul3A_34, %dma_wait3A_134] : memref<2x8192x1024xf32, #tpu.memory_space<hbm>> -> memref<1x16x1024xf32, #tpu.memory_space<hbm>>
    %dma_wait3A_136 = tpu.memref_squeeze %dma_wait3A_135 : memref<1x16x1024xf32, #tpu.memory_space<hbm>> -> memref<16x1024xf32, #tpu.memory_space<hbm>>
    tpu.wait_dma2 semaphore(%arg11 : memref<!tpu.dma_semaphore, #tpu.memory_space<semaphore_mem>>) src(%arg8 : memref<16x1024xf32, #tpu.memory_space<vmem>>) dst(%dma_wait3A_136 : memref<16x1024xf32, #tpu.memory_space<hbm>>)
    %dma_wait3A_137 = arith.constant 0 : i32
    %dma_wait3A_138 = tpu.memref_slice %arg4[%arg0, %mul3A_34, %dma_wait3A_137] : memref<2x8192x1024xf32, #tpu.memory_space<hbm>> -> memref<1x16x1024xf32, #tpu.memory_space<hbm>>
    %dma_wait3A_139 = tpu.memref_squeeze %dma_wait3A_138 : memref<1x16x1024xf32, #tpu.memory_space<hbm>> -> memref<16x1024xf32, #tpu.memory_space<hbm>>
    %dma_wait3A_140 = arith.constant 0 : i32
    %dma_wait3A_141 = tpu.memref_slice %arg4[%arg0, %mul3A_34, %dma_wait3A_140] : memref<2x8192x1024xf32, #tpu.memory_space<hbm>> -> memref<1x16x1024xf32, #tpu.memory_space<hbm>>
    %dma_wait3A_142 = tpu.memref_squeeze %dma_wait3A_141 : memref<1x16x1024xf32, #tpu.memory_space<hbm>> -> memref<16x1024xf32, #tpu.memory_space<hbm>>
    tpu.wait_dma2 semaphore(%arg12 : memref<!tpu.dma_semaphore, #tpu.memory_space<semaphore_mem>>) src(%arg9 : memref<16x1024xf32, #tpu.memory_space<vmem>>) dst(%dma_wait3A_142 : memref<16x1024xf32, #tpu.memory_space<hbm>>)
    return
  }
}

</mosaic_0001>

<sc_bundles>
// kernel: kernel.3.cloned.1.call-start
scs
__scs_entry_jumppad:
0x0: {  	(pc) =	sbr.rel $0x88, $3  }
0x1: {  	(tag) =	ssettag $0x0;
	lr =	simm.s32 $0x1  }
0x2: {  	[smem:$0x3F9F] =	sst lr;
	_ =	strace $0xD0000000  }
0x3: {  	_ = 	snop  }
0x4: {  	_ = 	snop  }
0x5: {  	_ = 	snop  }
0x6: {  	_ = 	snop  }
0x7: {  	_ = 	snop  }
__scs_overlays_trampoline_lowered:
0x8: {  	[smem:$0x3FAE] =	sst s0  }
0x9: {  	[smem:$0x3FAF] =	sst s1  }
0xa: {  	[smem:$0x3FB0] =	sst s2  }
0xb: {  	[smem:$0x3FB1] =	sst s3  }
0xc: {  	[smem:$0x3FB2] =	sst s4  }
0xd: {  	[smem:$0x3FB3] =	sst s5  }
0xe: {  	[smem:$0x3FB4] =	sst s6  }
0xf: {  	[smem:$0x3FB5] =	sst s7  }
0x10: {  	[smem:$0x3FB6] =	sst s8  }
0x11: {  	[smem:$0x3FB7] =	sst s9;
	s0 =	simm.s32 @!p0 $0x0  }
0x12: {  	s1 =	sld [smem:$0x3F9D];
	s0 =	simm.s32 @p0 $0x1  }
0x13: {  	[smem:$0x3FB8] =	sst s0;
	s0 =	simm.s32 @!p1 $0x0  }
0x14: {  	s2 =	sld [smem:$0x3F9C];
	s0 =	simm.s32 @p1 $0x1  }
0x15: {  	[smem:$0x3FB9] =	sst s0;
	s0 =	simm.s32 @!p2 $0x0  }
0x16: {  	s3 =	sld [smem:$0x3FDB];
	s0 =	simm.s32 @p2 $0x1  }
0x17: {  	s4 =	simm.s32 $0x1BF5;
	[smem:$0x3FBB] =	sst s0  }
0x18: {  	s0 =	sld [smem:$0x3F9E];
	_ =	swait.ge [sflag:s4], $0x0  }
0x19: {  	s7 =	sld [smem:$0x3F9F]  }
0x1a: {  	s8 =	sadd.s32 $0xFFFFE003, lr  }
0x1b: {  	s9 =	sadd.s32 $0xFFFFFEF7, lr;
	s5 =	simm.s32 $0xFFFFFFFF;
	p2 =	slt.u32 s8, $0xFFFFF086  }
0x1c: {  	p1 =	slt.u32 s9, $0xF7A;
	s5 =	simm.s32 @!p2 $0x0  }
0x1d: {  	s5 =	simm.s32 @p1 $0x1;
	p0 =	seq.s32 s7, s2  }
0x1e: {  	s7 =	smul.u32 @!p0 $0xF7A, s2;
	p2 =	seq.s32 @!p0 s5, $0x0  }
0x1f: {  	s9 =	smul.u32 $0xF7A, s1;
	s8 =	simm.s32 @!p0 $0x1BF5;
	p2 =	por !p2, p0  }
0x20: {  	[sflag:s8] =	ssyncset.s32 @!p0 $0xFFFFF086;
	s6 =	sadd.s32 @!p0 s3, s7;
	s7 =	simm.s32 @!p0 $0x108  }
0x21: {  	s3 =	sadd.s32 s3, s9;
	s6 =	sadd.s32 @!p0 $0x88, s6;
	s7 =	simm.s32 @p2 $0x1082  }
0x22: {  	[simem:s7], [sflag:s8] =	dma.local @!p0 [hbm:s6], $0xF7A  }
0x23: {  	s9 =	sor.u32 $0xD0000000, s2;
	s6 =	simm.s32 $0x108;
	_ =	swait.ge @!p0 [sflag:s8], $0x0  }
0x24: {  	s3 =	sadd.s32 $0x88, s3;
	s6 =	simm.s32 @!p1 $0x1082;
	[sflag:s4] =	ssyncset.s32 $0xFFFFF086  }
0x25: {  	[simem:s6], [sflag:s4] =	dma.local [hbm:s3], $0xF7A  }
0x26: {  	[smem:$0x3F9F] =	sst s1;
	(tag) =	ssettag s2;
	_ =	strace s9  }
0x27: {  	s1 =	sld [smem:$0x3FAF]  }
0x28: {  	s2 =	sld [smem:$0x3FB0]  }
0x29: {  	s4 =	sld [smem:$0x3FB2]  }
0x2a: {  	p0 =	seq.s32 s5, $0x0;
	s5 =	sld [smem:$0x3FB3]  }
0x2b: {  	s6 =	sld [smem:$0x3FB4]  }
0x2c: {  	s7 =	sld [smem:$0x3FB5]  }
0x2d: {  	s3 =	simm.s32 $0x108;
	s8 =	sld [smem:$0x3FB6]  }
0x2e: {  	s3 =	simm.s32 @!p0 $0x1082;
	s9 =	sld [smem:$0x3FB7]  }
0x2f: {  	lr =	sadd.s32 s0, s3;
	s0 =	sld [smem:$0x3FAE]  }
0x30: {  	s3 =	sld [smem:$0x3FB1]  }
0x31: {  	[smem:$0x3FBA] =	sst s10  }
0x32: {  	s10 =	sld [smem:$0x3FB8];
	_ =	sdelay $0x3  }
0x33: {  	p0 =	seq.s32 s10, $0x1;
	s10 =	sld [smem:$0x3FBA];
	_ =	sdelay $0x3  }
0x34: {  	[smem:$0x3FBA] =	sst s10  }
0x35: {  	s10 =	sld [smem:$0x3FB9];
	_ =	sdelay $0x3  }
0x36: {  	p1 =	seq.s32 s10, $0x1;
	s10 =	sld [smem:$0x3FBA];
	_ =	sdelay $0x3  }
0x37: {  	[smem:$0x3FBA] =	sst s10  }
0x38: {  	s10 =	sld [smem:$0x3FBB]  }
0x39: {  	_ = 	snop;
	(pc) =	sbr.ind lr, $3  }
0x3a: {  	_ = 	snop  }
0x3b: {  	_ = 	snop  }
0x3c: {  	p2 =	seq.s32 s10, $0x1;
	s10 =	sld [smem:$0x3FBA]  }
0x3d: {  	_ =	shalt  }
0x3e: {  	_ =	shalt  }
0x3f: {  	_ =	shalt  }
0x40: {  	_ =	shalt  }
0x41: {  	_ =	shalt  }
0x42: {  	_ =	shalt  }
0x43: {  	_ =	shalt  }
0x44: {  	_ =	shalt  }
0x45: {  	_ =	shalt  }
0x46: {  	_ =	shalt  }
0x47: {  	_ =	shalt  }
0x48: {  	_ =	shalt  }
0x49: {  	_ =	shalt  }
0x4a: {  	_ =	shalt  }
0x4b: {  	_ =	shalt  }
0x4c: {  	_ =	shalt  }
0x4d: {  	_ =	shalt  }
0x4e: {  	_ =	shalt  }
0x4f: {  	_ =	shalt  }
0x50: {  	_ =	shalt  }
0x51: {  	_ =	shalt  }
0x52: {  	_ =	shalt  }
0x53: {  	_ =	shalt  }
0x54: {  	_ =	shalt  }
0x55: {  	_ =	shalt  }
0x56: {  	_ =	shalt  }
0x57: {  	_ =	shalt  }
0x58: {  	_ =	shalt  }
0x59: {  	_ =	shalt  }
0x5a: {  	_ =	shalt  }
0x5b: {  	_ =	shalt  }
0x5c: {  	_ =	shalt  }
0x5d: {  	_ =	shalt  }
0x5e: {  	_ =	shalt  }
0x5f: {  	_ =	shalt  }
0x60: {  	_ =	shalt  }
0x61: {  	_ =	shalt  }
0x62: {  	_ =	shalt  }
0x63: {  	_ =	shalt  }
0x64: {  	_ =	shalt  }
0x65: {  	_ =	shalt  }
0x66: {  	_ =	shalt  }
0x67: {  	_ =	shalt  }
0x68: {  	_ =	shalt  }
0x69: {  	_ =	shalt  }
0x6a: {  	_ =	shalt  }
0x6b: {  	_ =	shalt  }
0x6c: {  	_ =	shalt  }
0x6d: {  	_ =	shalt  }
0x6e: {  	_ =	shalt  }
0x6f: {  	_ =	shalt  }
0x70: {  	_ =	shalt  }
0x71: {  	_ =	shalt  }
0x72: {  	_ =	shalt  }
0x73: {  	_ =	shalt  }
0x74: {  	_ =	shalt  }
0x75: {  	_ =	shalt  }
0x76: {  	_ =	shalt  }
0x77: {  	_ =	shalt  }
0x78: {  	_ =	shalt  }
0x79: {  	_ =	shalt  }
0x7a: {  	_ =	shalt  }
0x7b: {  	_ =	shalt  }
0x7c: {  	_ =	shalt  }
0x7d: {  	_ =	shalt  }
0x7e: {  	_ =	shalt  }
0x7f: {  	_ =	shalt  }
0x80: {  	_ =	shalt  }
0x81: {  	_ =	shalt  }
0x82: {  	_ =	shalt  }
0x83: {  	_ =	shalt  }
0x84: {  	_ =	shalt  }
0x85: {  	_ =	shalt  }
0x86: {  	_ =	shalt  }
0x87: {  	_ =	shalt  }
.Lfunc_end0:
.L_simem_size_0:
called_computation_lowered:
.L_overlay_start_0:
0x88: {  	s2 =	sld [smem:$0x3FD9]  }
0x89: {  	s3 =	sld [smem:$0x3FFE];
	_ =	sdelay $0x1  }
0x8a: {  	s1 =	srdreg.scid  }
0x8b: {  	s0 =	sand.u32 $0x1, s1  }
0x8c: {  	s18 =	sshll.u32 s0, $0xA;
	s2 =	sadd.s32 s3, s2  }
0x8d: {  	s2 =	sadd.s32 s2, s18  }
0x8e: {  	[smem:$0x3FC6] =	sst s2  }
0x8f: {  	_ = 	snop  }
0x90: {  	s2 =	sld [smem:$0x3FC9]  }
0x91: {  	s19 =	sld [smem:$0x3FC8]  }
0x92: {  	s4 =	sld [smem:$0x3FD0];
	(tm) =	ssettm $0x1  }
0x93: {  	s5 =	sld [smem:$0x3FFB];
	_ =	sdelay $0x3  }
0x94: {  	_ =	strace s5  }
0x95: {  	s5 =	sld [smem:$0x3FFC];
	_ =	sdelay $0x3  }
0x96: {  	_ =	strace s5  }
0x97: {  	s5 =	sld [smem:$0x3FFD];
	_ =	sdelay $0x3  }
0x98: {  	_ =	strace s5  }
0x99: {  	_ =	strace $0x8FFFFFFF  }
0x9a: {  	s20 =	sld [smem:$0x3FDB];
	_ =	sdelay $0x1  }
0x9b: {  	s6 =	simm.s32 $_scs_section_size  }
0x9c: {  	s7 =	simm.s32 $_size__tile_overlayer_lowered;
	s8 =	simm.s32 $_tile_overlayer_lowered  }
0x9d: {  	s23 =	simm.s32 $0x1BFF;
	s22 =	sshll.u32 s8, $0x1;
	s5 =	sadd.s32 s6, s20  }
0x9e: {  	s9 =	simm.s32 $0x0;
	s21 =	sshll.u32 s7, $0x1;
	s7 =	sadd.s32 s22, s5  }
0x9f: {  	[timem:s9], [sflag:s23] =	dma.local [hbm:s7], s21  }
0xa0: {  	_ =	swait.ge [sflag:s23], s21  }
0xa1: {  	s6 =	ssub.s32 $0x0, s21;
	[sflag:s23] =	ssyncset.done $0x0  }
0xa2: {  	[sflag:s23] =	ssyncadd.s32 s6;
	_ =	sdelay $0x1  }
0xa3: {  	s24 =	simm.s32 $0x1B8B  }
0xa4: {  	_ =	swait.ge [sflag:s24], $0x1  }
0xa5: {  	[sflag:s24] =	ssyncset.done $0x0  }
0xa6: {  	s25 =	simm.s32 $0x1B8E;
	[sflag:s24] =	ssyncadd.s32 $0xFFFFFFFF  }
0xa7: {  	s26 =	simm.s32 $execute0_lowered;
	[smem:$0x3FD2] =	sst s25  }
0xa8: {  	s6 =	sshll.u32 s26, $0x1;
	_ =	strace $0x80000046;
	[dreg:$0x1] =	wrdreg $0xFFFFFFFF  }
0xa9: {  	s28 =	simm.s32 $_size_execute0_lowered;
	s5 =	sadd.s32 s5, s6;
	[dreg:$0x0] =	wrdreg $0x0  }
0xaa: {  	s6 =	sshll.u32 s28, $0x1;
	[dreg:$0x2] =	wrdreg s5  }
0xab: {  	[dreg:$0x3] =	wrdreg s6  }
0xac: {  	[dreg:$0x4] =	wrdreg $0xC0  }
0xad: {  	_ =	task [dreg:s9], $0x5FFFF  }
0xae: {  	[dreg:$0x1] =	wrdreg $0xFFFFFFFF  }
0xaf: {  	[dreg:$0x0] =	wrdreg $0x60  }
0xb0: {  	[dreg:$0x2] =	wrdreg s2  }
0xb1: {  	[dreg:$0x3] =	wrdreg s19  }
0xb2: {  	[dreg:$0x4] =	wrdreg s4  }
0xb3: {  	[dreg:$0x5] =	wrdreg $0x9  }
0xb4: {  	_ =	task.clear_ibuf [dreg:s9], $0x6FFFF;
	_ =	strace $0x90000046  }
0xb5: {  	s29 =	simm.s32 $0x9;
	_ =	strace $0x80000048  }
0xb6: {  	_ =	swait.ge [sflag:s29], $0x1  }
0xb7: {  	[sflag:s29] =	ssyncadd.s32 $0xFFFFFFFF  }
0xb8: {  	_ =	strace $0x90000048  }
0xb9: {  	_ =	sfence  }
0xba: {  	s30 =	sld [smem:$0x0];
	_ =	sdelay $0x2  }
0xbb: {  	s31 =	sshll.u32 s1, $0xD;
	s1 =	sshrl.u32 s1, $0x2  }
0xbc: {  	s3 =	sand.u32 $0x4000, s31;
	s1 =	sadd.s32 s1, s30  }
0xbd: {  	s0 =	sor.u32 s3, s0;
	s1 =	sshll.u32 s1, $0x11  }
0xbe: {  	s0 =	sor.u32 s1, s0  }
0xbf: {  	s0 =	sadd.s32 $0x8F2B, s0  }
0xc0: {  	[sflag:s0] =	ssyncadd.remote.s32 $0x1  }
0xc1: {  	_ =	sfence.sel $0xFFFF  }
0xc2: {  	[dreg:$0x0] =	wrdreg $0xFFFFFFFF;
	(pc) =	sbr.abs _section_cstart, $3  }
0xc3: {  	[dreg:$0x1] =	wrdreg $0xFFFFFFFF  }
0xc4: {  	_ =	task.clear_ibuf [dreg:s9], $0x2FFFF;
	_ =	strace $0x9FFFFFFF  }
0xc5: {  	(tm) =	ssettm $0x7FFFFFFF  }
tec
execute0_lowered:
.L_overlay_start_1:
0x0: {  	(tag) =	ssettag $0x1  }
0x1: {  	s0 =	rddreg [dreg:$0x0]  }
0x2: {  	s4 =	rddreg [dreg:$0x1];
	s2 =	simm.s32 $0x0  }
0x3: {  	s1 =	srdreg.scid;
	[smem:$0x7FF] =	sst s2;
	s24 =	sadd.s32 $0x100, s4  }
0x4: {  	s25 =	sadd.s32 $0x200, s4;
	_ =	strace $0x80000047;
	[smem:$0x7F5] =	sst s24  }
0x5: {  	s5 =	stileid.u32;
	s26 =	sadd.s32 $0x300, s4;
	[smem:$0x7F6] =	sst s25  }
0x6: {  	s1 =	sand.u32 $0x1, s1;
	s28 =	sshll.u32 s5, $0x5;
	[smem:$0x7F7] =	sst s26  }
0x7: {  	s29 =	sshll.u32 s5, $0x9;
	s22 =	ssub.s32 $0x2, s1;
	[smem:$0x7F8] =	sst s28  }
0x8: {  	vm0 =	vcmask $0x704;
	v0 =	vimm.s32 $0x1;
	v2 =	vlaneseq.u32;
	s23 =	sshll.u32 s1, $0x4;
	s1 =	sshll.u32 s1, $0x17;
	[smem:$0x7FB] =	sst s29  }
0x9: {  	vm1 =	vcmask $0xB08;
	v1 =	vsel vm0, $0x10000, v0;
	v3 =	vand.u32 $0x7, v2;
	s30 =	sor.u32 $0x20, s29;
	[smem:$0x7F9] =	sst s1  }
0xa: {  	v4 =	vshrl.u32 v2, $0x3;
	v2 =	vor.u32 $0x8, v2;
	v1 =	vsel vm1, $0x10001, v1;
	s3 =	sshrl.u32 s22, $0x1;
	s0 =	sadd.s32 s0, s23;
	[smem:$0x7FA] =	sst s30  }
0xb: {  	v4 =	vmul.u32 $0x8, v4;
	v3 =	vperm.xlane v1, v3;
	v2 =	vperm.xlane v1, v2;
	s2 =	ssub.s32 s22, s3;
	[smem:$0x7F4] =	sst s0;
	s0 =	sor.u32 $0x30, s29  }
0xc: {  	v0 =	vsel vm0, $0x2000, v0;
	vm0 =	vmmov $0xffff;
	[smem:$0x7FC] =	sst s0;
	s31 =	smax.u32 s2, $0x1  }
0xd: {  	p0 =	seq.s32 s5, $0x0;
	v0 =	vsel vm1, $0x2001, v0;
	v1 =	vadd.s32 v4, v3;
	v2 =	vadd.s32 v4, v2;
	s2 =	simm.s32 $0x0;
	[smem:$0x7FD] =	sst s31  }
.LBB2_1:
0xe: {  	s0 =	sld [smem:$0x7F4]  }
0xf: {  	[smem:$0x7F3] =	sst s2;
	s1 =	simm.s32 $0x0  }
0x10: {  	s18 =	simm.s32 $0x80;
	s3 =	simm.s32 $0x100;
	s19 =	simm.s32 $0x4  }
0x11: {  	[tilespmem:s1], [sflag:$0x4] =	stream.strided.gather [hbm4b:s0+s18], $0x2000, s3, s18, $0x38;
	[tilespmem:$0x1C080] =	vst v63  }
0x12: {  	_ =	swait.ge [sflag:s19], $0x2000  }
0x13: {  	[sflag:s19] =	ssyncset.done $0x0  }
0x14: {  	s21 =	sld [smem:$0x7F5];
	[sflag:s19] =	ssyncadd.s32 $0xFFFFE000  }
0x15: {  	s20 =	simm.s32 $0x14080;
	[tilespmem:$0x2000] =	vst v0;
	s0 =	rddreg [dreg:$0x1]  }
0x16: {  	[tilespmem:s20], [sflag:$0x1] =	stream.indirect_vreg.gather [hbm4b:s0+s1], $0x80, v1, vm0, $0xb8;
	[tilespmem:$0x1C080] =	vst v63  }
0x17: {  	s22 =	simm.s32 $0x14880;
	s23 =	sld [smem:$0x7F6]  }
0x18: {  	[tilespmem:s22], [sflag:$0x1] =	stream.indirect_vreg.gather [hbm4b:s21+s1], $0x80, v1, vm0, $0xb8;
	[tilespmem:$0x1C080] =	vst v63  }
0x19: {  	s4 =	simm.s32 $0x15080;
	s24 =	sld [smem:$0x7F7]  }
0x1a: {  	[tilespmem:s4], [sflag:$0x1] =	stream.indirect_vreg.gather [hbm4b:s23+s1], $0x80, v1, vm0, $0xb8;
	[tilespmem:$0x1C080] =	vst v63  }
0x1b: {  	s5 =	simm.s32 $0x15880  }
0x1c: {  	[tilespmem:s5], [sflag:$0x1] =	stream.indirect_vreg.gather [hbm4b:s24+s1], $0x80, v1, vm0, $0xb8;
	[tilespmem:$0x1C080] =	vst v63  }
0x1d: {  	s25 =	simm.s32 $0x16080  }
0x1e: {  	[tilespmem:s25], [sflag:$0x1] =	stream.indirect_vreg.gather [hbm4b:s0+s1], $0x80, v2, vm0, $0xb8;
	[tilespmem:$0x1C080] =	vst v63  }
0x1f: {  	s26 =	simm.s32 $0x16880  }
0x20: {  	[tilespmem:s26], [sflag:$0x1] =	stream.indirect_vreg.gather [hbm4b:s21+s1], $0x80, v2, vm0, $0xb8;
	[tilespmem:$0x1C080] =	vst v63  }
0x21: {  	s28 =	simm.s32 $0x17080  }
0x22: {  	[tilespmem:s28], [sflag:$0x1] =	stream.indirect_vreg.gather [hbm4b:s23+s1], $0x80, v2, vm0, $0xb8;
	[tilespmem:$0x1C080] =	vst v63  }
0x23: {  	s29 =	simm.s32 $0x17880;
	s30 =	simm.s32 $0x1  }
0x24: {  	[tilespmem:s29], [sflag:$0x1] =	stream.indirect_vreg.gather [hbm4b:s24+s1], $0x80, v2, vm0, $0xb8;
	[tilespmem:$0x1C080] =	vst v63  }
0x25: {  	_ =	swait.ge [sflag:s30], $0x4000  }
0x26: {  	s31 =	sand.u32 $0x70, s1;
	s1 =	sand.u32 $0x1C00, s1;
	[sflag:s30] =	ssyncset.done $0x0  }
0x27: {  	s0 =	sor.u32 s31, s1;
	[sflag:s30] =	ssyncadd.s32 $0xFFFFC000  }
0x28: {  	v3 =	vld [tilespmem:s0+$0x14180]  }
0x29: {  	v4 =	vld [tilespmem:s0+$0x14080]  }
0x2a: {  	s2 =	simm.s32 $0x0;
	s1 =	simm.s32 $0x10;
	v5 =	vld [tilespmem:s0+$0x14100]  }
.LBB2_2:
0x2b: {  	s3 =	sand.u32 $0x70, s1;
	s2 =	sadd.s32 $0x80, s2;
	p1 =	sne.s32 s1, $0x3F0  }
.Ltmp0:
0x2c: {  	s1 =	sadd.s32 $0x10, s1;
	s4 =	sand.u32 $0x1C00, s2;
	(pc) =	sbr.rel @p1 .LBB2_2-.Ltmp0, $4  }
0x2d: {  	s3 =	sor.u32 s3, s4;
	[tilespmem:s0+$0x12180] =	vst v3  }
0x2e: {  	v3 =	vld [tilespmem:s3+$0x14180];
	[tilespmem:s0+$0x12080] =	vst v4  }
0x2f: {  	v4 =	vld [tilespmem:s3+$0x14080];
	[tilespmem:s0+$0x12100] =	vst v5;
	s0 =	smov.u32 s3  }
0x30: {  	v5 =	vld [tilespmem:s0+$0x14100]  }
.Ltmp1:
0x31: {  	_ = 	snop;
	(pc) =	sbr.rel @p0 .LBB2_7-.Ltmp1, $4  }
0x32: {  	_ = 	snop  }
0x33: {  	[tilespmem:s0+$0x12180] =	vst v3  }
0x34: {  	[tilespmem:s0+$0x12080] =	vst v4  }
0x35: {  	v3 =	vimm.s32 $0x0;
	[tilespmem:s0+$0x12100] =	vst v5;
	s0 =	simm.s32 $0x0  }
0x36: {  	s1 =	sld [smem:$0x7F8];
	_ =	sdelay $0x2  }
0x37: {  	p1 =	sne.s32 s1, $0x1  }
.Ltmp2:
0x38: {  	_ = 	snop;
	(pc) =	sbr.rel @!p1 .LBB2_6-.Ltmp2, $2  }
0x39: {  	_ =	sdelay $0x2  }
0x3a: {  	v4 =	vld [tilespmem:s0+$0x0];
	s1 =	sadd.s32 $0xFFFFFFFF, s1  }
.LBB2_5:
0x3b: {  	p1 =	sne.s32 s1, $0x1  }
.Ltmp3:
0x3c: {  	_ = 	snop;
	(pc) =	sbr.rel @p1 .LBB2_5-.Ltmp3, $3  }
0x3d: {  	_ =	sdelay $0x1  }
0x3e: {  	s1 =	sadd.s32 $0xFFFFFFFF, s1;
	s0 =	sadd.s32 $0x10, s0;
	v3 =	vadd.s32 v3, v4  }
0x3f: {  	v4 =	vld [tilespmem:s0+$0x0]  }
.LBB2_6:
0x40: {  	_ =	sdelay $0x3  }
0x41: {  	v3 =	vadd.s32 v3, v4  }
.LBB2_7:
0x42: {  	(xrf0) =	vadd.scan.msk.s32 $0xffff, v3;
	_ =	sdelay $0x5  }
0x43: {  	v3, _, _ =	vpop (xrf0)  }
0x44: {  	(v2sf) =	vpush v3, $0xF;
	_ =	sdelay $0xe  }
0x45: {  	s29 =	spop (v2sf)  }
0x46: {  	s0 =	sadd.s32 $0x2, s29  }
0x47: {  	s6 =	sand.u32 $0xFFFFFFF0, s0  }
0x48: {  	p1 =	sgt.s32 s6, $0x1FF0  }
0x49: {  	s5 =	rddreg [dreg:$0x1];
	s0 =	sshll.u32 @!p1 s6, $0x7  }
0x4a: {  	s1 =	simm.s32 @!p1 $0x0;
	s2 =	simm.s32 @!p1 $0x2080;
	s0 =	sadd.s32 @!p1 s5, s0  }
0x4b: {  	[tilespmem:s2], [sflag:$0x1] =	stream.linear.gather @!p1 [hbm4b:s0+s1], $0x4000, $0x38;
	[tilespmem:$0x1C080] =	vst v63  }
0x4c: {  	s4 =	sadd.s32 $0x10, s6;
	p1 =	slt.s32 s6, $0x1FF1;
	s0 =	smov.u32 s6  }
0x4d: {  	s0 =	smov.u32 @p1 s4  }
0x4e: {  	p1 =	sgt.s32 s0, $0x1FF0  }
0x4f: {  	s1 =	ssub.s32 @!p1 s0, s6  }
0x50: {  	s1 =	sshll.u32 @!p1 s1, $0xA  }
0x51: {  	s2 =	sshll.u32 @!p1 s0, $0x7;
	s1 =	sand.u32 @!p1 $0xC000, s1  }
0x52: {  	s3 =	simm.s32 @!p1 $0x0;
	s2 =	sadd.s32 @!p1 s5, s2;
	s1 =	sor.u32 @!p1 $0x2080, s1  }
0x53: {  	[tilespmem:s1], [sflag:$0x1] =	stream.linear.gather @!p1 [hbm4b:s2+s3], $0x4000, $0x38;
	[tilespmem:$0x1C080] =	vst v63  }
0x54: {  	p1 =	slt.s32 s0, $0x1FF1;
	s1 =	sadd.s32 $0x10, s0  }
0x55: {  	s0 =	smov.u32 @p1 s1  }
0x56: {  	p1 =	sgt.s32 s0, $0x1FF0  }
0x57: {  	s1 =	ssub.s32 @!p1 s0, s6  }
0x58: {  	s1 =	sshll.u32 @!p1 s1, $0xA  }
0x59: {  	s2 =	sshll.u32 @!p1 s0, $0x7;
	s1 =	sand.u32 @!p1 $0xE000, s1  }
0x5a: {  	s3 =	simm.s32 @!p1 $0x0;
	s2 =	sadd.s32 @!p1 s5, s2;
	s1 =	sadd.s32 @!p1 $0x2080, s1  }
0x5b: {  	[tilespmem:s1], [sflag:$0x1] =	stream.linear.gather @!p1 [hbm4b:s2+s3], $0x4000, $0x38;
	[tilespmem:$0x1C080] =	vst v63  }
0x5c: {  	p1 =	slt.s32 s0, $0x1FF1;
	s1 =	sadd.s32 $0x10, s0  }
0x5d: {  	s0 =	smov.u32 @p1 s1  }
0x5e: {  	p1 =	sge.s32 s6, s0  }
0x5f: {  	s1 =	simm.s32 @!p1 $0x1  }
0x60: {  	_ =	swait.ge @!p1 [sflag:s1], $0x4000  }
0x61: {  	s26 =	sld [smem:$0x7FB]  }
0x62: {  	[sflag:s1] =	ssyncset.done @!p1 $0x0  }
0x63: {  	[sflag:s1] =	ssyncadd.s32 @!p1 $0xFFFFC000  }
0x64: {  	v3 =	vld [tilespmem:s26+$0x0]  }
0x65: {  	v4 =	vld [tilespmem:s26+$0x10];
	_ =	sdelay $0x3  }
0x66: {  	(xrf0) =	vadd.scan.msk.s32 $0xffff, v3  }
0x67: {  	(xrf0) =	vadd.scan.msk.s32 $0xffff, v4;
	_ =	sdelay $0x4  }
0x68: {  	v3, _, _ =	vpop (xrf0)  }
0x69: {  	(v2sf) =	vpush v3, $0xF;
	v3, _, _ =	vpop (xrf0)  }
0x6a: {  	(v2sf) =	vpush v3, $0xF;
	_ =	sdelay $0xd  }
0x6b: {  	s30 =	spop (v2sf)  }
0x6c: {  	s28 =	simm.s32 $0x0;
	s22 =	sadd.s32 s29, s30;
	s31 =	spop (v2sf)  }
0x6d: {  	s4 =	smov.u32 @p1 s6;
	[smem:$0x7F2] =	sst s6;
	v3 =	vmov s6;
	s21 =	sadd.s32 s31, s22  }
.LBB2_8:
0x6e: {  	s20 =	sld [smem:$0x7FB];
	_ =	sdelay $0x1  }
0x6f: {  	s19 =	sshll.u32 s28, $0x5  }
0x70: {  	s1 =	sand.u32 $0x1FE0, s19;
	s2 =	sand.u32 $0x1F80, s20  }
0x71: {  	s1 =	sor.u32 s2, s1  }
0x72: {  	v4 =	vld [tilespmem:s1+$0x0];
	_ =	sdelay $0x4  }
0x73: {  	(xrf0) =	vadd.scan.msk.s32 $0xffff, v4;
	_ =	sdelay $0x5  }
0x74: {  	v5, _, _ =	vpop (xrf0)  }
0x75: {  	(v2sf) =	vpush v5, $0xF;
	_ =	sdelay $0xe  }
0x76: {  	s23 =	spop (v2sf)  }
0x77: {  	s1 =	sadd.s32 s23, s29  }
0x78: {  	s8 =	sadd.s32 $0x2, s1  }
0x79: {  	p1 =	slt.s32 s8, $0x2000  }
0x7a: {  	s8 =	simm.s32 @!p1 $0x2000  }
0x7b: {  	s24 =	sadd.s32 $0x1, s29;
	s3 =	sadd.s32 $0x10, s4;
	p2 =	sge.s32 s4, s8  }
0x7c: {  	[smem:$0x7EF] =	sst s2;
	v5 =	vadd.s32 s24, v5;
	p1 =	slt.s32 s4, s8;
	s2 =	simm.s32 @!p2 $0x1  }
0x7d: {  	v6 =	vsub.s32 v5, v3;
	s4 =	smov.u32 @p1 s3;
	_ =	swait.ge @!p2 [sflag:s2], $0x4000  }
0x7e: {  	vm1 =	vgt.s32 v5, $0x1FFF;
	v5 =	vadd.s32 $0xFFFFE041, v5;
	v6 =	vand.u32 $0x3F, v6;
	p1 =	sge.s32 s4, s8;
	[sflag:s2] =	ssyncset.done @!p2 $0x0  }
0x7f: {  	vm2 =	veq.s32 v4, $0x0;
	v4 =	vsel vm1, v5, v6;
	s1 =	simm.s32 @!p1 $0x1;
	[sflag:s2] =	ssyncadd.s32 @!p2 $0xFFFFC000  }
0x80: {  	v4 =	vsel vm2, $0x40, v4;
	_ =	swait.ge @!p1 [sflag:s1], $0x4000  }
0x81: {  	(v2sf) =	vpush v4, $0x0  }
0x82: {  	(v2sf) =	vpush v4, $0x1  }
0x83: {  	(v2sf) =	vpush v4, $0x2  }
0x84: {  	(v2sf) =	vpush v4, $0x3  }
0x85: {  	(v2sf) =	vpush v4, $0x4  }
0x86: {  	s25 =	sadd.s32 $0x20, s8  }
0x87: {  	p3 =	slt.s32 s0, $0x1FF1;
	p5 =	slt.s32 s0, s25;
	s23 =	sld [smem:$0x7F2]  }
0x88: {  	p2 =	por !p3, !p5  }
0x89: {  	p2 =	por !p2, !p2  }
0x8a: {  	[sflag:s1] =	ssyncset.done @!p1 $0x0;
	s5 =	ssub.s32 @p2 s0, s23;
	(v2sf) =	vpush v4, $0x5  }
0x8b: {  	s6 =	sshll.u32 @p2 s0, $0x7;
	[sflag:s1] =	ssyncadd.s32 @!p1 $0xFFFFC000;
	s5 =	sshll.u32 @p2 s5, $0xA;
	(v2sf) =	vpush v4, $0x6  }
0x8c: {  	s15 =	rddreg [dreg:$0x1];
	s1 =	sand.u32 @p2 $0xE000, s5;
	s5 =	sand.u32 @p2 $0xFFFFC00, s6;
	(v2sf) =	vpush v4, $0x7  }
0x8d: {  	s6 =	simm.s32 @p2 $0x0;
	s5 =	sadd.s32 @p2 s15, s5;
	s1 =	sadd.s32 @p2 $0x2080, s1;
	(v2sf) =	vpush v4, $0x8  }
0x8e: {  	[tilespmem:s1], [sflag:$0x1] =	stream.linear.gather @p2 [hbm4b:s5+s6], $0x4000, $0x38;
	(v2sf) =	vpush v4, $0x9;
	[tilespmem:$0x1C080] =	vst v63  }
0x8f: {  	s5 =	sadd.s32 $0x10, s0;
	(v2sf) =	vpush v4, $0xA  }
0x90: {  	s0 =	smov.u32 @p2 s5;
	s2 =	spop (v2sf);
	(v2sf) =	vpush v4, $0xB  }
0x91: {  	p6 =	slt.s32 s0, s25;
	p2 =	slt.s32 s0, $0x1FF1;
	s10 =	spop (v2sf);
	(v2sf) =	vpush v4, $0xC  }
0x92: {  	p1 =	por !p6, !p2;
	s24 =	spop (v2sf);
	(v2sf) =	vpush v4, $0xD  }
0x93: {  	p2 =	por !p1, !p1;
	s18 =	spop (v2sf);
	(v2sf) =	vpush v4, $0xE  }
0x94: {  	s3 =	ssub.s32 @p2 s0, s23;
	s17 =	spop (v2sf);
	(v2sf) =	vpush v4, $0xF  }
0x95: {  	s25 =	sshll.u32 @p2 s0, $0x7;
	s3 =	sshll.u32 @p2 s3, $0xA  }
0x96: {  	s25 =	sand.u32 @p2 $0xFFFFC00, s25;
	s3 =	sand.u32 @p2 $0xE000, s3  }
0x97: {  	s26 =	simm.s32 @p2 $0x0;
	s25 =	sadd.s32 @p2 s15, s25;
	s3 =	sadd.s32 @p2 $0x2080, s3  }
0x98: {  	[tilespmem:s3], [sflag:$0x1] =	stream.linear.gather @p2 [hbm4b:s25+s26], $0x4000, $0x38;
	[tilespmem:$0x1C080] =	vst v63  }
0x99: {  	s16 =	spop (v2sf)  }
0x9a: {  	[smem:$0x7F0] =	sst s28;
	s13 =	spop (v2sf)  }
0x9b: {  	p1 =	seq.s32 s28, $0x0;
	s26 =	sshll.u32 s2, $0xA;
	s1 =	spop (v2sf)  }
0x9c: {  	s15 =	sshll.u32 s2, $0x7;
	s2 =	simm.s32 @!p1 $0x2;
	s14 =	spop (v2sf)  }
0x9d: {  	s25 =	sand.u32 $0xFFFFE000, s26;
	s26 =	sand.u32 $0x380, s15;
	s12 =	spop (v2sf)  }
0x9e: {  	s23 =	sshll.u32 s10, $0xA;
	s10 =	sshll.u32 s10, $0x7;
	s11 =	spop (v2sf)  }
0x9f: {  	s25 =	sor.u32 s26, s25;
	s15 =	sand.u32 $0xFFFFE000, s23;
	s9 =	spop (v2sf)  }
0xa0: {  	s10 =	sand.u32 $0x380, s10;
	s23 =	sshll.u32 s24, $0xA;
	s7 =	spop (v2sf)  }
0xa1: {  	s24 =	sshll.u32 s24, $0x7;
	s25 =	sadd.s32 $0x2080, s25;
	s6 =	spop (v2sf)  }
0xa2: {  	s10 =	sor.u32 s10, s15;
	s24 =	sand.u32 $0x380, s24;
	s5 =	spop (v2sf)  }
0xa3: {  	s10 =	sadd.s32 $0x2080, s10;
	s15 =	sshll.u32 s17, $0xA;
	s3 =	spop (v2sf)  }
0xa4: {  	s17 =	sshll.u32 s17, $0x7;
	_ =	swait.ge @!p1 [sflag:s2], $0x4000;
	[dreg:$0x4] =	wrdreg s25  }
0xa5: {  	s17 =	sand.u32 $0x380, s17;
	s25 =	sand.u32 $0xFFFFE000, s23;
	[dreg:$0x5] =	wrdreg s10  }
0xa6: {  	s24 =	sor.u32 s24, s25;
	s25 =	sshll.u32 s18, $0xA;
	s18 =	sshll.u32 s18, $0x7  }
0xa7: {  	[sflag:s2] =	ssyncset.done @!p1 $0x0;
	s10 =	sadd.s32 $0x2080, s24;
	s26 =	sand.u32 $0xFFFFE000, s25  }
0xa8: {  	s18 =	sand.u32 $0x380, s18;
	s24 =	sshll.u32 s13, $0xA;
	s13 =	sshll.u32 s13, $0x7  }
0xa9: {  	[dreg:$0x6] =	wrdreg s10;
	s10 =	sor.u32 s18, s26;
	s18 =	sand.u32 $0xFFFFE000, s15  }
0xaa: {  	s13 =	sand.u32 $0x380, s13;
	s26 =	sshll.u32 s1, $0xA;
	s1 =	sshll.u32 s1, $0x7  }
0xab: {  	s10 =	sadd.s32 $0x2080, s10;
	s17 =	sor.u32 s17, s18;
	s18 =	sshll.u32 s16, $0xA  }
0xac: {  	s16 =	sshll.u32 s16, $0x7;
	s15 =	sand.u32 $0xFFFFE000, s26;
	s1 =	sand.u32 $0x380, s1  }
0xad: {  	s26 =	sshll.u32 s11, $0xA;
	s11 =	sshll.u32 s11, $0x7;
	[dreg:$0x7] =	wrdreg s10  }
0xae: {  	s10 =	sadd.s32 $0x2080, s17;
	s23 =	sand.u32 $0xFFFFE000, s18;
	s16 =	sand.u32 $0x380, s16  }
0xaf: {  	s1 =	sor.u32 s1, s15;
	s17 =	sshll.u32 s14, $0x7;
	s11 =	sand.u32 $0x380, s11  }
0xb0: {  	s15 =	sshll.u32 s7, $0xA;
	s7 =	sshll.u32 s7, $0x7;
	[dreg:$0x8] =	wrdreg s10  }
0xb1: {  	s10 =	sor.u32 s16, s23;
	s16 =	sand.u32 $0xFFFFE000, s24;
	s1 =	sadd.s32 $0x2080, s1  }
0xb2: {  	s23 =	sshll.u32 s12, $0xA;
	s12 =	sshll.u32 s12, $0x7;
	s7 =	sand.u32 $0x380, s7  }
0xb3: {  	s10 =	sadd.s32 $0x2080, s10;
	s25 =	sor.u32 s13, s16;
	s16 =	sshll.u32 s14, $0xA  }
0xb4: {  	s13 =	sand.u32 $0x380, s17;
	[dreg:$0xb] =	wrdreg s1;
	s24 =	sand.u32 $0xFFFFE000, s23  }
0xb5: {  	s17 =	sshll.u32 s6, $0xA;
	s6 =	sshll.u32 s6, $0x7;
	s23 =	sshll.u32 s5, $0xA  }
0xb6: {  	s5 =	sshll.u32 s5, $0x7;
	[dreg:$0x9] =	wrdreg s10;
	s10 =	sadd.s32 $0x2080, s25  }
0xb7: {  	s25 =	sand.u32 $0x380, s12;
	[dreg:$0xa] =	wrdreg s10;
	s10 =	sand.u32 $0xFFFFE000, s16  }
0xb8: {  	s6 =	sand.u32 $0x380, s6;
	s5 =	sand.u32 $0x380, s5;
	s18 =	sor.u32 s13, s10  }
0xb9: {  	s10 =	sand.u32 $0xFFFFE000, s26;
	s13 =	sshll.u32 s9, $0xA;
	s9 =	sshll.u32 s9, $0x7  }
0xba: {  	s26 =	rddreg [dreg:$0x4];
	s1 =	sadd.s32 $0x2080, s18;
	s12 =	sor.u32 s11, s10  }
0xbb: {  	s14 =	sand.u32 $0xFFFFE000, s13;
	s9 =	sand.u32 $0x380, s9;
	s18 =	sand.u32 $0xFFFFE000, s17  }
0xbc: {  	s10 =	simm.s32 $0x0;
	[dreg:$0xc] =	wrdreg s1;
	s1 =	sor.u32 s25, s24  }
0xbd: {  	s25 =	sshll.u32 s3, $0xA;
	s3 =	sshll.u32 s3, $0x7;
	s1 =	sadd.s32 $0x2080, s1  }
0xbe: {  	s28 =	sand.u32 $0x1C00, s10;
	[dreg:$0xd] =	wrdreg s1;
	s1 =	sadd.s32 $0x2080, s12  }
0xbf: {  	[dreg:$0xe] =	wrdreg s1;
	s1 =	sor.u32 s9, s14;
	s9 =	sand.u32 $0xFFFFE000, s15  }
0xc0: {  	s3 =	sand.u32 $0x380, s3;
	s1 =	sadd.s32 $0x2080, s1;
	s16 =	sor.u32 s7, s9  }
0xc1: {  	s9 =	sadd.s32 s28, s26;
	[dreg:$0xf] =	wrdreg s1;
	s1 =	sadd.s32 $0x2080, s16  }
0xc2: {  	[dreg:$0x10] =	wrdreg s1;
	s1 =	sor.u32 s6, s18;
	s6 =	sand.u32 $0xFFFFE000, s23  }
0xc3: {  	s1 =	sadd.s32 $0x2080, s1;
	s24 =	sor.u32 s5, s6;
	s5 =	sand.u32 $0xFFFFE000, s25  }
0xc4: {  	[dreg:$0x11] =	wrdreg s1;
	s1 =	sadd.s32 $0x2080, s24;
	s7 =	sor.u32 s3, s5  }
0xc5: {  	s18 =	sand.u32 $0x70, s10;
	[dreg:$0x12] =	wrdreg s1;
	s1 =	sadd.s32 $0x2080, s7  }
0xc6: {  	[sflag:s2] =	ssyncadd.s32 @!p1 $0xFFFFC000;
	s11 =	sadd.s32 s18, s9;
	[dreg:$0x13] =	wrdreg s1  }
0xc7: {  	v4 =	vld [tilespmem:s11+$0x0];
	_ =	sdelay $0x2  }
0xc8: {  	s12 =	rddreg [dreg:$0x5]  }
0xc9: {  	s24 =	sor.u32 s18, s28;
	s1 =	sadd.s32 s28, s12  }
0xca: {  	s1 =	sadd.s32 s18, s1;
	[tilespmem:s24+$0x14080] =	vst v4  }
0xcb: {  	v4 =	vld [tilespmem:s1+$0x0];
	_ =	sdelay $0x2  }
0xcc: {  	s13 =	rddreg [dreg:$0x6]  }
0xcd: {  	s1 =	sadd.s32 s28, s13  }
0xce: {  	s1 =	sadd.s32 s18, s1;
	[tilespmem:s24+$0x14100] =	vst v4  }
0xcf: {  	v4 =	vld [tilespmem:s1+$0x0];
	_ =	sdelay $0x2  }
0xd0: {  	s14 =	rddreg [dreg:$0x7]  }
0xd1: {  	s1 =	sadd.s32 s28, s14  }
0xd2: {  	s1 =	sadd.s32 s18, s1;
	[tilespmem:s24+$0x14180] =	vst v4  }
0xd3: {  	v4 =	vld [tilespmem:s1+$0x0]  }
0xd4: {  	s3 =	simm.s32 $0x80  }
0xd5: {  	s15 =	rddreg [dreg:$0x4];
	s6 =	simm.s32 $0x10;
	s5 =	sand.u32 $0x1C00, s3  }
0xd6: {  	s14 =	sand.u32 $0x70, s6;
	s16 =	rddreg [dreg:$0x8];
	s1 =	sadd.s32 s5, s15  }
0xd7: {  	s1 =	sadd.s32 s14, s1;
	s2 =	sadd.s32 s28, s16  }
0xd8: {  	s17 =	sadd.s32 s18, s2;
	[tilespmem:s24+$0x14200] =	vst v4;
	v4 =	vld [tilespmem:s1+$0x0]  }
0xd9: {  	v5 =	vld [tilespmem:s17+$0x0];
	_ =	sdelay $0x1  }
0xda: {  	s23 =	rddreg [dreg:$0x5]  }
0xdb: {  	s25 =	sor.u32 s14, s5;
	s2 =	sadd.s32 s5, s23;
	s26 =	rddreg [dreg:$0x9]  }
0xdc: {  	s2 =	sadd.s32 s14, s2;
	s1 =	sadd.s32 s28, s26;
	[tilespmem:s25+$0x14080] =	vst v4  }
0xdd: {  	s1 =	sadd.s32 s18, s1;
	v4 =	vld [tilespmem:s2+$0x0];
	[tilespmem:s24+$0x14280] =	vst v5  }
0xde: {  	v5 =	vld [tilespmem:s1+$0x0];
	_ =	sdelay $0x1  }
0xdf: {  	s7 =	rddreg [dreg:$0x6]  }
0xe0: {  	s9 =	rddreg [dreg:$0xa];
	s2 =	sadd.s32 s5, s7  }
0xe1: {  	s2 =	sadd.s32 s14, s2;
	s1 =	sadd.s32 s28, s9;
	[tilespmem:s25+$0x14100] =	vst v4  }
0xe2: {  	s1 =	sadd.s32 s18, s1;
	v4 =	vld [tilespmem:s2+$0x0];
	[tilespmem:s24+$0x14300] =	vst v5  }
0xe3: {  	v5 =	vld [tilespmem:s1+$0x0];
	_ =	sdelay $0x1  }
0xe4: {  	s11 =	rddreg [dreg:$0x7]  }
0xe5: {  	s29 =	simm.s32 $0x100;
	s12 =	rddreg [dreg:$0xb];
	s2 =	sadd.s32 s5, s11  }
0xe6: {  	s13 =	rddreg [dreg:$0x4];
	s2 =	sadd.s32 s14, s2;
	s1 =	sadd.s32 s28, s12;
	[tilespmem:s25+$0x14180] =	vst v4  }
0xe7: {  	s16 =	simm.s32 $0x20;
	s26 =	sand.u32 $0x1C00, s29;
	s1 =	sadd.s32 s18, s1;
	v4 =	vld [tilespmem:s2+$0x0];
	[tilespmem:s24+$0x14380] =	vst v5  }
0xe8: {  	s17 =	sadd.s32 s26, s13;
	s9 =	sand.u32 $0x70, s16;
	v5 =	vld [tilespmem:s1+$0x0]  }
0xe9: {  	s2 =	sadd.s32 s9, s17  }
0xea: {  	s15 =	rddreg [dreg:$0x8];
	v6 =	vld [tilespmem:s2+$0x0]  }
0xeb: {  	s10 =	sor.u32 s10, s10;
	s23 =	rddreg [dreg:$0xc];
	s1 =	sadd.s32 s5, s15  }
0xec: {  	s2 =	sor.u32 $0x380, s10;
	s1 =	sadd.s32 s14, s1;
	s7 =	sadd.s32 s28, s23;
	[tilespmem:s25+$0x14200] =	vst v4  }
0xed: {  	s11 =	rddreg [dreg:$0x5];
	s12 =	sadd.s32 s18, s7;
	[tilespmem:s2+$0x14080] =	vst v5;
	v4 =	vld [tilespmem:s1+$0x0]  }
0xee: {  	s17 =	sor.u32 s9, s26;
	s15 =	sadd.s32 s26, s11;
	v5 =	vld [tilespmem:s12+$0x0]  }
0xef: {  	[tilespmem:s17+$0x14080] =	vst v6;
	s1 =	sadd.s32 s9, s15  }
0xf0: {  	s13 =	rddreg [dreg:$0x9];
	v6 =	vld [tilespmem:s1+$0x0]  }
0xf1: {  	s23 =	rddreg [dreg:$0xd];
	s10 =	sadd.s32 s5, s13  }
0xf2: {  	s1 =	sadd.s32 s14, s10;
	s7 =	sadd.s32 s28, s23;
	[tilespmem:s25+$0x14280] =	vst v4  }
0xf3: {  	s11 =	rddreg [dreg:$0x6];
	s12 =	sadd.s32 s18, s7;
	v4 =	vld [tilespmem:s1+$0x0];
	[tilespmem:s24+$0x16080] =	vst v5  }
0xf4: {  	s15 =	sadd.s32 s26, s11;
	v5 =	vld [tilespmem:s12+$0x0]  }
0xf5: {  	[tilespmem:s17+$0x14100] =	vst v6;
	s1 =	sadd.s32 s9, s15  }
0xf6: {  	s13 =	rddreg [dreg:$0xa];
	v6 =	vld [tilespmem:s1+$0x0]  }
0xf7: {  	s23 =	rddreg [dreg:$0xe];
	s10 =	sadd.s32 s5, s13  }
0xf8: {  	s1 =	sadd.s32 s14, s10;
	s2 =	sadd.s32 s28, s23;
	[tilespmem:s25+$0x14300] =	vst v4  }
0xf9: {  	s11 =	rddreg [dreg:$0x7];
	s12 =	sadd.s32 s18, s2;
	v4 =	vld [tilespmem:s1+$0x0];
	[tilespmem:s24+$0x16100] =	vst v5  }
0xfa: {  	s15 =	sadd.s32 s26, s11;
	v5 =	vld [tilespmem:s12+$0x0]  }
0xfb: {  	[tilespmem:s17+$0x14180] =	vst v6;
	s1 =	sadd.s32 s9, s15  }
0xfc: {  	s13 =	rddreg [dreg:$0xb];
	v6 =	vld [tilespmem:s1+$0x0]  }
0xfd: {  	s23 =	rddreg [dreg:$0xf];
	s11 =	sadd.s32 s5, s13  }
0xfe: {  	s10 =	rddreg [dreg:$0x10];
	s1 =	sadd.s32 s14, s11;
	s15 =	sadd.s32 s28, s23;
	[tilespmem:s25+$0x14380] =	vst v4  }
0xff: {  	s31 =	simm.s32 $0x30;
	s12 =	rddreg [dreg:$0x8];
	s7 =	sadd.s32 s18, s15;
	v4 =	vld [tilespmem:s1+$0x0];
	[tilespmem:s24+$0x16180] =	vst v5  }
0x100: {  	s30 =	sand.u32 $0x70, s31;
	s2 =	simm.s32 $0x180;
	s15 =	sadd.s32 s26, s12;
	v5 =	vld [tilespmem:s7+$0x0]  }
0x101: {  	s23 =	rddreg [dreg:$0x4];
	[tilespmem:s17+$0x14200] =	vst v6;
	s1 =	sadd.s32 s9, s15;
	s7 =	sand.u32 $0x1C00, s2  }
0x102: {  	s3 =	sor.u32 s3, s6;
	s13 =	rddreg [dreg:$0xc];
	v6 =	vld [tilespmem:s1+$0x0];
	s23 =	sadd.s32 s7, s23  }
0x103: {  	s12 =	sor.u32 $0x380, s3;
	s13 =	sadd.s32 s5, s13;
	s11 =	sadd.s32 s30, s23  }
0x104: {  	s10 =	sadd.s32 s28, s10;
	s3 =	sadd.s32 s14, s13;
	v7 =	vld [tilespmem:s11+$0x0];
	[tilespmem:s12+$0x14080] =	vst v4  }
0x105: {  	s15 =	rddreg [dreg:$0x9];
	s12 =	sadd.s32 s18, s10;
	[tilespmem:s24+$0x16200] =	vst v5;
	v4 =	vld [tilespmem:s3+$0x0]  }
0x106: {  	p3 =	slt.s32 s4, s8;
	s15 =	sadd.s32 s26, s15;
	v5 =	vld [tilespmem:s12+$0x0]  }
0x107: {  	s8 =	sadd.s32 $0x10, s4;
	s23 =	rddreg [dreg:$0x5];
	[tilespmem:s17+$0x14280] =	vst v6;
	s3 =	sadd.s32 s9, s15  }
0x108: {  	s6 =	sor.u32 s30, s7;
	s1 =	sadd.s32 s7, s23;
	s13 =	rddreg [dreg:$0xd];
	v6 =	vld [tilespmem:s3+$0x0]  }
0x109: {  	s1 =	sadd.s32 s30, s1;
	s23 =	rddreg [dreg:$0x11];
	s10 =	sadd.s32 s5, s13;
	[tilespmem:s6+$0x14080] =	vst v7  }
0x10a: {  	s12 =	rddreg [dreg:$0xa];
	s11 =	sadd.s32 s28, s23;
	v7 =	vld [tilespmem:s1+$0x0];
	s1 =	sadd.s32 s14, s10;
	[tilespmem:s25+$0x16080] =	vst v4  }
0x10b: {  	s4 =	smov.u32 @p3 s8;
	s15 =	sadd.s32 s18, s11;
	s13 =	rddreg [dreg:$0x6];
	v4 =	vld [tilespmem:s1+$0x0];
	[tilespmem:s24+$0x16280] =	vst v5  }
0x10c: {  	s8 =	sor.u32 s20, s19;
	s12 =	sadd.s32 s26, s12;
	s23 =	rddreg [dreg:$0xe];
	v5 =	vld [tilespmem:s15+$0x0]  }
0x10d: {  	s13 =	sadd.s32 s7, s13;
	[tilespmem:s17+$0x14300] =	vst v6;
	s1 =	sadd.s32 s9, s12;
	s15 =	rddreg [dreg:$0x12]  }
0x10e: {  	s3 =	sadd.s32 s30, s13;
	s12 =	simm.s32 $0x40;
	[smem:$0x7F1] =	sst s19  }
0x10f: {  	s20 =	sadd.s32 s5, s23;
	s13 =	rddreg [dreg:$0xb];
	v6 =	vld [tilespmem:s1+$0x0];
	s1 =	sadd.s32 $0x10, s0;
	[tilespmem:s6+$0x14100] =	vst v7  }
0x110: {  	s10 =	sadd.s32 s28, s15;
	v7 =	vld [tilespmem:s3+$0x0];
	s23 =	rddreg [dreg:$0x7];
	s3 =	sadd.s32 s14, s20;
	[tilespmem:s25+$0x16100] =	vst v4  }
0x111: {  	s13 =	sadd.s32 s26, s13;
	s15 =	sadd.s32 s18, s10;
	v4 =	vld [tilespmem:s3+$0x0];
	[tilespmem:s24+$0x16300] =	vst v5;
	s19 =	rddreg [dreg:$0xf]  }
0x112: {  	s0 =	smov.u32 @p2 s1;
	s20 =	sadd.s32 s7, s23;
	s3 =	rddreg [dreg:$0x10];
	v8 =	vld [tilespmem:s15+$0x0]  }
0x113: {  	s13 =	sadd.s32 s9, s13;
	s1 =	sadd.s32 s30, s20;
	s23 =	rddreg [dreg:$0x13]  }
0x114: {  	s20 =	sor.u32 s29, s16;
	[tilespmem:s17+$0x14380] =	vst v6;
	s10 =	sadd.s32 s5, s19;
	s19 =	rddreg [dreg:$0x4]  }
0x115: {  	s29 =	smov.u32 s21;
	s16 =	simm.s32 $0x50;
	s11 =	rddreg [dreg:$0xc];
	v6 =	vld [tilespmem:s13+$0x0];
	[tilespmem:s6+$0x14180] =	vst v7  }
0x116: {  	s15 =	sadd.s32 s28, s23;
	s28 =	sadd.s32 s14, s10;
	s13 =	simm.s32 $0x200;
	v7 =	vld [tilespmem:s1+$0x0];
	[tilespmem:s25+$0x16180] =	vst v4  }
0x117: {  	s10 =	rddreg [dreg:$0x8];
	s1 =	sadd.s32 s18, s15;
	v5 =	vld [tilespmem:s28+$0x0];
	[tilespmem:s24+$0x16380] =	vst v8;
	s28 =	sand.u32 $0x1C00, s13  }
0x118: {  	s18 =	sand.u32 $0x70, s12;
	v4 =	vld [tilespmem:s1+$0x0];
	s21 =	sadd.s32 s28, s19;
	s1 =	sor.u32 $0x380, s20  }
.LBB2_9:
0x119: {  	p2 =	sne.s32 s16, $0x3F0  }
0x11a: {  	s15 =	sadd.s32 s18, s21;
	s10 =	sadd.s32 s7, s10;
	s19 =	sadd.s32 s26, s11  }
0x11b: {  	s21 =	smov.u32 s2;
	s20 =	rddreg [dreg:$0x5];
	s3 =	sadd.s32 s5, s3;
	[tilespmem:s6+$0x14200] =	vst v7  }
0x11c: {  	s23 =	rddreg [dreg:$0x9];
	s2 =	smov.u32 s13;
	s10 =	sadd.s32 s30, s10;
	v7 =	vld [tilespmem:s15+$0x0];
	[tilespmem:s1+$0x14080] =	vst v6  }
0x11d: {  	s13 =	sadd.s32 $0x80, s13;
	s1 =	sadd.s32 s9, s19;
	s15 =	rddreg [dreg:$0xd];
	v6 =	vld [tilespmem:s10+$0x0];
	[tilespmem:s25+$0x16200] =	vst v5  }
0x11e: {  	s11 =	sadd.s32 s14, s3;
	s19 =	sadd.s32 s28, s20;
	s20 =	rddreg [dreg:$0x11];
	v5 =	vld [tilespmem:s1+$0x0];
	[tilespmem:s24+$0x16400] =	vst v4  }
0x11f: {  	s10 =	sadd.s32 s7, s23;
	s23 =	rddreg [dreg:$0x6];
	s24 =	smov.u32 s25;
	v4 =	vld [tilespmem:s11+$0x0]  }
0x120: {  	s25 =	smov.u32 s17;
	s17 =	smov.u32 s6;
	s6 =	sor.u32 s18, s28  }
0x121: {  	s3 =	sadd.s32 s26, s15;
	s1 =	sadd.s32 s18, s19;
	s11 =	rddreg [dreg:$0xa];
	[tilespmem:s6+$0x14080] =	vst v7  }
0x122: {  	s10 =	sadd.s32 s30, s10;
	s3 =	sadd.s32 s9, s3;
	s11 =	sadd.s32 s7, s11;
	v7 =	vld [tilespmem:s1+$0x0];
	[tilespmem:s17+$0x14280] =	vst v6  }
0x123: {  	s1 =	smov.u32 s14;
	s14 =	sadd.s32 s5, s20;
	s20 =	sadd.s32 s28, s23;
	v6 =	vld [tilespmem:s10+$0x0];
	[tilespmem:s25+$0x16080] =	vst v5  }
0x124: {  	s23 =	rddreg [dreg:$0x12];
	s19 =	sadd.s32 s1, s14;
	s14 =	smov.u32 s9;
	v5 =	vld [tilespmem:s3+$0x0];
	[tilespmem:s24+$0x16280] =	vst v4  }
0x125: {  	s10 =	rddreg [dreg:$0xe];
	s9 =	smov.u32 s30;
	s30 =	smov.u32 s18;
	v4 =	vld [tilespmem:s19+$0x0]  }
0x126: {  	s18 =	smov.u32 s5;
	s5 =	smov.u32 s26;
	s26 =	smov.u32 s7  }
0x127: {  	s7 =	smov.u32 s28;
	s28 =	rddreg [dreg:$0x13];
	s3 =	sadd.s32 s30, s20;
	[tilespmem:s6+$0x14100] =	vst v7  }
0x128: {  	s10 =	sadd.s32 s5, s10;
	s23 =	sadd.s32 s18, s23;
	s19 =	sadd.s32 s9, s11;
	v7 =	vld [tilespmem:s3+$0x0];
	[tilespmem:s17+$0x14300] =	vst v6  }
0x129: {  	s18 =	sadd.s32 s18, s28;
	s11 =	rddreg [dreg:$0x7];
	s20 =	sadd.s32 s14, s10;
	v6 =	vld [tilespmem:s19+$0x0];
	[tilespmem:s25+$0x16100] =	vst v5  }
0x12a: {  	s28 =	sand.u32 $0x1C00, s13;
	s10 =	rddreg [dreg:$0xb];
	s15 =	sadd.s32 s1, s23;
	v5 =	vld [tilespmem:s20+$0x0];
	[tilespmem:s24+$0x16300] =	vst v4  }
0x12b: {  	s23 =	smov.u32 s31;
	s31 =	smov.u32 s12;
	s12 =	smov.u32 s16;
	v4 =	vld [tilespmem:s15+$0x0]  }
0x12c: {  	s1 =	sadd.s32 s1, s18;
	s10 =	sadd.s32 s26, s10;
	s20 =	sadd.s32 s7, s11  }
.Ltmp4:
0x12d: {  	s19 =	rddreg [dreg:$0xf];
	s11 =	sadd.s32 s30, s20;
	[tilespmem:s6+$0x14180] =	vst v7;
	(pc) =	sbr.rel @p2 .LBB2_9-.Ltmp4, $4  }
0x12e: {  	s10 =	sadd.s32 s9, s10;
	s3 =	rddreg [dreg:$0x10];
	s15 =	sadd.s32 s5, s19;
	v7 =	vld [tilespmem:s11+$0x0];
	[tilespmem:s17+$0x14380] =	vst v6  }
0x12f: {  	s18 =	sand.u32 $0x70, s16;
	s20 =	rddreg [dreg:$0x4];
	s15 =	sadd.s32 s14, s15;
	v6 =	vld [tilespmem:s10+$0x0];
	[tilespmem:s25+$0x16180] =	vst v5  }
0x130: {  	s16 =	sadd.s32 $0x10, s16;
	s23 =	sor.u32 s21, s23;
	s11 =	rddreg [dreg:$0xc];
	v5 =	vld [tilespmem:s15+$0x0];
	[tilespmem:s24+$0x16380] =	vst v4  }
0x131: {  	s21 =	sadd.s32 s28, s20;
	s10 =	rddreg [dreg:$0x8];
	v4 =	vld [tilespmem:s1+$0x0];
	s1 =	sor.u32 $0x380, s23  }
0x132: {  	s15 =	sadd.s32 s18, s21  }
0x133: {  	v8 =	vld [tilespmem:s15+$0x0];
	_ =	sdelay $0x2  }
0x134: {  	s19 =	rddreg [dreg:$0x5]  }
0x135: {  	s21 =	sor.u32 s18, s28;
	s15 =	sadd.s32 s28, s19  }
0x136: {  	s15 =	sadd.s32 s18, s15;
	[tilespmem:s21+$0x14080] =	vst v8  }
0x137: {  	v8 =	vld [tilespmem:s15+$0x0];
	_ =	sdelay $0x2  }
0x138: {  	s20 =	rddreg [dreg:$0x6]  }
0x139: {  	s15 =	sadd.s32 s28, s20  }
0x13a: {  	s15 =	sadd.s32 s18, s15;
	[tilespmem:s21+$0x14100] =	vst v8  }
0x13b: {  	v8 =	vld [tilespmem:s15+$0x0];
	_ =	sdelay $0x2  }
0x13c: {  	s23 =	rddreg [dreg:$0x7]  }
0x13d: {  	s15 =	sadd.s32 s28, s23  }
0x13e: {  	s15 =	sadd.s32 s18, s15;
	[tilespmem:s21+$0x14180] =	vst v8  }
0x13f: {  	v8 =	vld [tilespmem:s15+$0x0];
	_ =	sdelay $0x2  }
0x140: {  	s10 =	sadd.s32 s7, s10;
	s16 =	rddreg [dreg:$0x8]  }
0x141: {  	[tilespmem:s6+$0x14200] =	vst v7;
	s10 =	sadd.s32 s30, s10;
	s15 =	sadd.s32 s28, s16  }
0x142: {  	v7 =	vld [tilespmem:s10+$0x0];
	s19 =	sadd.s32 s18, s15;
	[tilespmem:s21+$0x14200] =	vst v8  }
0x143: {  	v8 =	vld [tilespmem:s19+$0x0];
	_ =	sdelay $0x1  }
0x144: {  	s20 =	rddreg [dreg:$0x9]  }
0x145: {  	s15 =	sadd.s32 s7, s20;
	s23 =	rddreg [dreg:$0x9]  }
0x146: {  	[tilespmem:s6+$0x14280] =	vst v7;
	s15 =	sadd.s32 s30, s15;
	s10 =	sadd.s32 s28, s23  }
0x147: {  	v7 =	vld [tilespmem:s15+$0x0];
	s10 =	sadd.s32 s18, s10;
	[tilespmem:s21+$0x14280] =	vst v8  }
0x148: {  	v8 =	vld [tilespmem:s10+$0x0];
	_ =	sdelay $0x1  }
0x149: {  	s16 =	rddreg [dreg:$0xa]  }
0x14a: {  	s15 =	sadd.s32 s7, s16;
	s19 =	rddreg [dreg:$0xa]  }
0x14b: {  	s15 =	sadd.s32 s30, s15;
	[tilespmem:s6+$0x14300] =	vst v7;
	s10 =	sadd.s32 s28, s19  }
0x14c: {  	v7 =	vld [tilespmem:s15+$0x0];
	s10 =	sadd.s32 s18, s10;
	[tilespmem:s21+$0x14300] =	vst v8  }
0x14d: {  	v8 =	vld [tilespmem:s10+$0x0];
	_ =	sdelay $0x1  }
0x14e: {  	s20 =	rddreg [dreg:$0xb]  }
0x14f: {  	s15 =	sadd.s32 s7, s20;
	s23 =	rddreg [dreg:$0xb]  }
0x150: {  	s15 =	sadd.s32 s30, s15;
	[tilespmem:s6+$0x14380] =	vst v7;
	s10 =	sadd.s32 s28, s23  }
0x151: {  	v7 =	vld [tilespmem:s15+$0x0];
	s10 =	sadd.s32 s18, s10;
	[tilespmem:s21+$0x14380] =	vst v8  }
0x152: {  	v8 =	vld [tilespmem:s10+$0x0]  }
0x153: {  	s2 =	sor.u32 s2, s31;
	s19 =	sadd.s32 s26, s11  }
0x154: {  	s12 =	sor.u32 s13, s12;
	[tilespmem:s1+$0x14080] =	vst v6;
	s16 =	rddreg [dreg:$0xc];
	s10 =	sadd.s32 s9, s19  }
0x155: {  	s31 =	sadd.s32 s7, s16;
	s23 =	sor.u32 $0x380, s2;
	s20 =	rddreg [dreg:$0xc];
	v6 =	vld [tilespmem:s10+$0x0]  }
0x156: {  	s2 =	sadd.s32 s30, s31;
	[tilespmem:s23+$0x14080] =	vst v7;
	s10 =	sor.u32 $0x380, s12;
	s12 =	sadd.s32 s28, s20  }
0x157: {  	v7 =	vld [tilespmem:s2+$0x0];
	s15 =	sadd.s32 s18, s12;
	[tilespmem:s10+$0x14080] =	vst v8  }
0x158: {  	s13 =	rddreg [dreg:$0xd];
	v8 =	vld [tilespmem:s15+$0x0]  }
0x159: {  	s20 =	sadd.s32 s26, s13  }
0x15a: {  	s16 =	rddreg [dreg:$0xd];
	s10 =	sadd.s32 s9, s20;
	[tilespmem:s17+$0x16080] =	vst v6  }
0x15b: {  	s2 =	sadd.s32 s7, s16;
	s19 =	rddreg [dreg:$0xd];
	v6 =	vld [tilespmem:s10+$0x0]  }
0x15c: {  	s2 =	sadd.s32 s30, s2;
	[tilespmem:s6+$0x16080] =	vst v7;
	s1 =	sadd.s32 s28, s19  }
0x15d: {  	v7 =	vld [tilespmem:s2+$0x0];
	s1 =	sadd.s32 s18, s1;
	[tilespmem:s21+$0x16080] =	vst v8  }
0x15e: {  	s23 =	rddreg [dreg:$0xe];
	v8 =	vld [tilespmem:s1+$0x0]  }
0x15f: {  	s10 =	sadd.s32 s26, s23  }
0x160: {  	s31 =	rddreg [dreg:$0xe];
	s10 =	sadd.s32 s9, s10;
	[tilespmem:s17+$0x16100] =	vst v6  }
0x161: {  	s2 =	sadd.s32 s7, s31;
	s11 =	rddreg [dreg:$0xe];
	v6 =	vld [tilespmem:s10+$0x0]  }
0x162: {  	s2 =	sadd.s32 s30, s2;
	[tilespmem:s6+$0x16100] =	vst v7;
	s1 =	sadd.s32 s28, s11  }
0x163: {  	v7 =	vld [tilespmem:s2+$0x0];
	s1 =	sadd.s32 s18, s1;
	[tilespmem:s21+$0x16100] =	vst v8  }
0x164: {  	s12 =	rddreg [dreg:$0xf];
	v8 =	vld [tilespmem:s1+$0x0]  }
0x165: {  	s13 =	rddreg [dreg:$0xf];
	s10 =	sadd.s32 s26, s12  }
0x166: {  	s16 =	rddreg [dreg:$0x10];
	s10 =	sadd.s32 s9, s10;
	[tilespmem:s17+$0x16180] =	vst v6  }
0x167: {  	s2 =	sadd.s32 s7, s13;
	s15 =	rddreg [dreg:$0xf];
	v6 =	vld [tilespmem:s10+$0x0]  }
0x168: {  	s19 =	rddreg [dreg:$0x10];
	s2 =	sadd.s32 s30, s2;
	[tilespmem:s6+$0x16180] =	vst v7;
	s1 =	sadd.s32 s28, s15  }
0x169: {  	v7 =	vld [tilespmem:s2+$0x0];
	s20 =	rddreg [dreg:$0x10];
	s1 =	sadd.s32 s18, s1;
	[tilespmem:s21+$0x16180] =	vst v8  }
0x16a: {  	s23 =	sadd.s32 s5, s3;
	v8 =	vld [tilespmem:s1+$0x0]  }
0x16b: {  	[tilespmem:s25+$0x16200] =	vst v5;
	s31 =	sadd.s32 s26, s16;
	s1 =	sadd.s32 s14, s23  }
0x16c: {  	s3 =	sadd.s32 s9, s31;
	[tilespmem:s17+$0x16200] =	vst v6;
	v5 =	vld [tilespmem:s1+$0x0]  }
0x16d: {  	s11 =	sadd.s32 s7, s19;
	v6 =	vld [tilespmem:s3+$0x0]  }
0x16e: {  	s13 =	sadd.s32 s30, s11;
	s15 =	sadd.s32 s28, s20;
	[tilespmem:s6+$0x16200] =	vst v7  }
0x16f: {  	s12 =	rddreg [dreg:$0x11];
	s19 =	sadd.s32 s18, s15;
	v7 =	vld [tilespmem:s13+$0x0];
	[tilespmem:s21+$0x16200] =	vst v8  }
0x170: {  	s23 =	sadd.s32 s5, s12;
	s16 =	rddreg [dreg:$0x11];
	v8 =	vld [tilespmem:s19+$0x0]  }
0x171: {  	s1 =	sadd.s32 s14, s23;
	s10 =	sadd.s32 s26, s16;
	[tilespmem:s25+$0x16280] =	vst v5  }
0x172: {  	s20 =	rddreg [dreg:$0x11];
	s11 =	sadd.s32 s9, s10;
	[tilespmem:s17+$0x16280] =	vst v6;
	v5 =	vld [tilespmem:s1+$0x0]  }
0x173: {  	s2 =	sadd.s32 s7, s20;
	s31 =	rddreg [dreg:$0x11];
	v6 =	vld [tilespmem:s11+$0x0]  }
0x174: {  	s13 =	sadd.s32 s30, s2;
	[tilespmem:s6+$0x16280] =	vst v7;
	s15 =	sadd.s32 s28, s31  }
0x175: {  	v7 =	vld [tilespmem:s13+$0x0];
	s12 =	rddreg [dreg:$0x12];
	s19 =	sadd.s32 s18, s15;
	[tilespmem:s21+$0x16280] =	vst v8  }
0x176: {  	s16 =	rddreg [dreg:$0x12];
	s23 =	sadd.s32 s5, s12;
	v8 =	vld [tilespmem:s19+$0x0]  }
0x177: {  	s3 =	sadd.s32 s26, s16;
	s1 =	sadd.s32 s14, s23;
	[tilespmem:s25+$0x16300] =	vst v5  }
0x178: {  	s20 =	rddreg [dreg:$0x12];
	s3 =	sadd.s32 s9, s3;
	[tilespmem:s17+$0x16300] =	vst v6;
	v5 =	vld [tilespmem:s1+$0x0]  }
0x179: {  	s2 =	sadd.s32 s7, s20;
	s31 =	rddreg [dreg:$0x12];
	v6 =	vld [tilespmem:s3+$0x0]  }
0x17a: {  	s12 =	sadd.s32 s30, s2;
	[tilespmem:s6+$0x16300] =	vst v7;
	s13 =	sadd.s32 s28, s31  }
0x17b: {  	v7 =	vld [tilespmem:s12+$0x0];
	s11 =	rddreg [dreg:$0x13];
	s16 =	sadd.s32 s18, s13;
	[tilespmem:s21+$0x16300] =	vst v8  }
0x17c: {  	s15 =	rddreg [dreg:$0x13];
	s20 =	sadd.s32 s5, s11;
	v8 =	vld [tilespmem:s16+$0x0]  }
0x17d: {  	s31 =	sadd.s32 s26, s15;
	s1 =	sadd.s32 s14, s20;
	[tilespmem:s25+$0x16380] =	vst v5  }
0x17e: {  	s19 =	rddreg [dreg:$0x13];
	s9 =	sadd.s32 s9, s31;
	[tilespmem:s17+$0x16380] =	vst v6;
	v5 =	vld [tilespmem:s1+$0x0]  }
0x17f: {  	s2 =	sadd.s32 s7, s19;
	s23 =	rddreg [dreg:$0x13];
	v6 =	vld [tilespmem:s9+$0x0]  }
0x180: {  	s10 =	sadd.s32 s30, s2;
	[tilespmem:s6+$0x16380] =	vst v7;
	s11 =	sadd.s32 s28, s23  }
0x181: {  	v7 =	vld [tilespmem:s10+$0x0];
	s12 =	sadd.s32 s18, s11;
	[tilespmem:s21+$0x16380] =	vst v8  }
0x182: {  	[tilespmem:s24+$0x16400] =	vst v4;
	v8 =	vld [tilespmem:s12+$0x0]  }
0x183: {  	[tilespmem:s25+$0x16400] =	vst v5  }
0x184: {  	[tilespmem:s17+$0x16400] =	vst v6  }
0x185: {  	s14 =	sld [smem:$0x7F9]  }
0x186: {  	[tilespmem:s6+$0x16400] =	vst v7  }
0x187: {  	s13 =	sshll.u32 s8, $0xA;
	s15 =	rddreg [dreg:$0x2];
	[tilespmem:s21+$0x16400] =	vst v8  }
0x188: {  	s1 =	sadd.s32 s14, s13;
	s18 =	sld [smem:$0x7FA]  }
0x189: {  	s16 =	simm.s32 $0x0;
	s1 =	sshrl.u32 s1, $0x3;
	s19 =	sld [smem:$0x7F1]  }
0x18a: {  	s17 =	simm.s32 $0x14080;
	s1 =	sadd.s32 s15, s1;
	s20 =	sld [smem:$0x7EF]  }
0x18b: {  	[hbm4b:s1+s16] =	stream.linear.scatter [tilespmem:s17], [sflag:$0x2], $0x4000, $0x38;
	[tilespmem:$0x1C080] =	vst v63  }
0x18c: {  	s1 =	sadd.s32 s19, s18;
	s26 =	sor.u32 $0x10, s19  }
0x18d: {  	s1 =	smin.u32 s1, $0x1FF0;
	s2 =	sand.u32 $0x1FF0, s26  }
0x18e: {  	v4 =	vld [tilespmem:s1+$0x0];
	s1 =	sor.u32 s20, s2  }
0x18f: {  	v5 =	vld [tilespmem:s1+$0x0];
	_ =	sdelay $0x3  }
0x190: {  	(xrf0) =	vadd.scan.msk.s32 $0xffff, v4  }
0x191: {  	(xrf0) =	vadd.scan.msk.s32 $0xffff, v5;
	_ =	sdelay $0x4  }
0x192: {  	v4, _, _ =	vpop (xrf0)  }
0x193: {  	(v2sf) =	vpush v4, $0xF;
	v4, _, _ =	vpop (xrf0)  }
0x194: {  	(v2sf) =	vpush v4, $0xF;
	_ =	sdelay $0xd  }
0x195: {  	s25 =	spop (v2sf)  }
0x196: {  	s21 =	spop (v2sf)  }
0x197: {  	s1 =	sadd.s32 s21, s22  }
0x198: {  	s8 =	sadd.s32 $0x2, s1  }
0x199: {  	p2 =	slt.s32 s8, $0x2000  }
0x19a: {  	s8 =	simm.s32 @!p2 $0x2000  }
0x19b: {  	s23 =	sadd.s32 $0x1, s22;
	p3 =	sge.s32 s4, s8  }
0x19c: {  	s3 =	sadd.s32 $0x10, s4;
	v4 =	vadd.s32 s23, v4;
	p2 =	slt.s32 s4, s8;
	s2 =	simm.s32 @!p3 $0x1  }
0x19d: {  	v6 =	vsub.s32 v4, v3;
	s4 =	smov.u32 @p2 s3;
	_ =	swait.ge @!p3 [sflag:s2], $0x4000  }
0x19e: {  	vm1 =	vgt.s32 v4, $0x1FFF;
	v4 =	vadd.s32 $0xFFFFE041, v4;
	v6 =	vand.u32 $0x3F, v6;
	p2 =	sge.s32 s4, s8;
	[sflag:s2] =	ssyncset.done @!p3 $0x0  }
0x19f: {  	vm2 =	veq.s32 v5, $0x0;
	v4 =	vsel vm1, v4, v6;
	[sflag:s2] =	ssyncadd.s32 @!p3 $0xFFFFC000;
	s2 =	simm.s32 @!p2 $0x1  }
0x1a0: {  	v4 =	vsel vm2, $0x40, v4;
	_ =	swait.ge @!p2 [sflag:s2], $0x4000  }
0x1a1: {  	(v2sf) =	vpush v4, $0x0  }
0x1a2: {  	(v2sf) =	vpush v4, $0x1  }
0x1a3: {  	(v2sf) =	vpush v4, $0x2  }
0x1a4: {  	(v2sf) =	vpush v4, $0x3  }
0x1a5: {  	(v2sf) =	vpush v4, $0x4  }
0x1a6: {  	s19 =	sadd.s32 $0x20, s8  }
0x1a7: {  	p4 =	slt.s32 s0, $0x1FF1;
	p5 =	slt.s32 s0, s19;
	s22 =	sld [smem:$0x7F2]  }
0x1a8: {  	p3 =	por !p4, !p5  }
0x1a9: {  	p3 =	por !p3, !p3  }
0x1aa: {  	[sflag:s2] =	ssyncset.done @!p2 $0x0;
	s5 =	ssub.s32 @p3 s0, s22;
	(v2sf) =	vpush v4, $0x5  }
0x1ab: {  	s6 =	sshll.u32 @p3 s0, $0x7;
	[sflag:s2] =	ssyncadd.s32 @!p2 $0xFFFFC000;
	s5 =	sshll.u32 @p3 s5, $0xA;
	(v2sf) =	vpush v4, $0x6  }
0x1ac: {  	s21 =	rddreg [dreg:$0x1];
	s2 =	sand.u32 @p3 $0xE000, s5;
	s5 =	sand.u32 @p3 $0xFFFFC00, s6;
	(v2sf) =	vpush v4, $0x7  }
0x1ad: {  	s6 =	simm.s32 @p3 $0x0;
	s5 =	sadd.s32 @p3 s21, s5;
	s2 =	sadd.s32 @p3 $0x2080, s2;
	(v2sf) =	vpush v4, $0x8  }
0x1ae: {  	[tilespmem:s2], [sflag:$0x1] =	stream.linear.gather @p3 [hbm4b:s5+s6], $0x4000, $0x38;
	(v2sf) =	vpush v4, $0x9;
	[tilespmem:$0x1C080] =	vst v63  }
0x1af: {  	s2 =	sadd.s32 $0x10, s0;
	(v2sf) =	vpush v4, $0xA  }
0x1b0: {  	s0 =	smov.u32 @p3 s2;
	s24 =	spop (v2sf);
	(v2sf) =	vpush v4, $0xB  }
0x1b1: {  	p6 =	slt.s32 s0, s19;
	p3 =	slt.s32 s0, $0x1FF1;
	s31 =	spop (v2sf);
	(v2sf) =	vpush v4, $0xC  }
0x1b2: {  	p2 =	por !p6, !p3;
	s20 =	spop (v2sf);
	(v2sf) =	vpush v4, $0xD  }
0x1b3: {  	p2 =	por !p2, !p2;
	s18 =	spop (v2sf);
	(v2sf) =	vpush v4, $0xE  }
0x1b4: {  	s2 =	ssub.s32 @p2 s0, s22;
	s17 =	spop (v2sf);
	(v2sf) =	vpush v4, $0xF  }
0x1b5: {  	s3 =	sshll.u32 @p2 s0, $0x7;
	s2 =	sshll.u32 @p2 s2, $0xA  }
0x1b6: {  	s3 =	sand.u32 @p2 $0xFFFFC00, s3;
	s2 =	sand.u32 @p2 $0xE000, s2  }
0x1b7: {  	s3 =	sadd.s32 @p2 s21, s3;
	s21 =	simm.s32 @p2 $0x0;
	s2 =	sadd.s32 @p2 $0x2080, s2  }
0x1b8: {  	[tilespmem:s2], [sflag:$0x1] =	stream.linear.gather @p2 [hbm4b:s3+s21], $0x4000, $0x38;
	[tilespmem:$0x1C080] =	vst v63  }
0x1b9: {  	s1 =	spop (v2sf)  }
0x1ba: {  	s22 =	sshll.u32 s24, $0xA;
	s10 =	sshll.u32 s24, $0x7;
	s13 =	spop (v2sf)  }
0x1bb: {  	s2 =	simm.s32 @!p1 $0x3;
	s21 =	sand.u32 $0xFFFFE000, s22;
	s16 =	spop (v2sf)  }
0x1bc: {  	s10 =	sand.u32 $0x380, s10;
	s23 =	sshll.u32 s31, $0xA;
	s14 =	spop (v2sf)  }
0x1bd: {  	s15 =	sshll.u32 s31, $0x7;
	s10 =	sor.u32 s10, s21;
	s12 =	spop (v2sf)  }
0x1be: {  	s24 =	sand.u32 $0xFFFFE000, s23;
	s15 =	sand.u32 $0x380, s15;
	s11 =	spop (v2sf)  }
0x1bf: {  	s31 =	sshll.u32 s20, $0xA;
	s20 =	sshll.u32 s20, $0x7;
	s9 =	spop (v2sf)  }
0x1c0: {  	s10 =	sadd.s32 $0x2080, s10;
	s20 =	sand.u32 $0x380, s20;
	s7 =	spop (v2sf)  }
0x1c1: {  	s19 =	sshll.u32 s18, $0xA;
	s18 =	sshll.u32 s18, $0x7;
	s5 =	spop (v2sf)  }
0x1c2: {  	s22 =	sshll.u32 s17, $0xA;
	s17 =	sshll.u32 s17, $0x7;
	s6 =	spop (v2sf)  }
0x1c3: {  	s21 =	sand.u32 $0x380, s18;
	s17 =	sand.u32 $0x380, s17;
	s3 =	spop (v2sf)  }
0x1c4: {  	s18 =	sshll.u32 s16, $0xA;
	_ =	swait.ge @!p1 [sflag:s2], $0x4000;
	[dreg:$0x14] =	wrdreg s10  }
0x1c5: {  	s10 =	sor.u32 s15, s24;
	s15 =	sand.u32 $0xFFFFE000, s31;
	s24 =	sshll.u32 s1, $0xA  }
0x1c6: {  	s1 =	sshll.u32 s1, $0x7;
	s10 =	sadd.s32 $0x2080, s10;
	s15 =	sor.u32 s20, s15  }
0x1c7: {  	s20 =	sand.u32 $0xFFFFE000, s19;
	s31 =	sand.u32 $0xFFFFE000, s24;
	s1 =	sand.u32 $0x380, s1  }
0x1c8: {  	s19 =	sshll.u32 s16, $0x7;
	[sflag:s2] =	ssyncset.done @!p1 $0x0;
	[dreg:$0x15] =	wrdreg s10  }
0x1c9: {  	s10 =	sadd.s32 $0x2080, s15;
	s15 =	sand.u32 $0xFFFFE000, s22;
	s1 =	sor.u32 s1, s31  }
0x1ca: {  	s22 =	sshll.u32 s14, $0xA;
	s31 =	sshll.u32 s12, $0xA;
	s12 =	sshll.u32 s12, $0x7  }
0x1cb: {  	[dreg:$0x16] =	wrdreg s10;
	s10 =	sor.u32 s21, s20;
	s23 =	sor.u32 s17, s15  }
0x1cc: {  	s15 =	sshll.u32 s13, $0xA;
	s13 =	sshll.u32 s13, $0x7;
	s1 =	sadd.s32 $0x2080, s1  }
0x1cd: {  	s20 =	sand.u32 $0xFFFFE000, s18;
	s21 =	sand.u32 $0x380, s19;
	s19 =	sshll.u32 s7, $0xA  }
0x1ce: {  	s7 =	sshll.u32 s7, $0x7;
	s10 =	sadd.s32 $0x2080, s10;
	[dreg:$0x19] =	wrdreg s1  }
0x1cf: {  	s13 =	sand.u32 $0x380, s13;
	s7 =	sand.u32 $0x380, s7;
	[dreg:$0x17] =	wrdreg s10  }
0x1d0: {  	s10 =	sadd.s32 $0x2080, s23;
	s23 =	sshll.u32 s14, $0x7;
	s14 =	sand.u32 $0x380, s12  }
0x1d1: {  	[dreg:$0x18] =	wrdreg s10;
	s10 =	sand.u32 $0xFFFFE000, s15;
	s15 =	sshll.u32 s11, $0xA  }
0x1d2: {  	s11 =	sshll.u32 s11, $0x7;
	s17 =	sor.u32 s13, s10;
	s10 =	sand.u32 $0xFFFFE000, s22  }
0x1d3: {  	s13 =	sand.u32 $0x380, s23;
	s11 =	sand.u32 $0x380, s11;
	s22 =	sshll.u32 s6, $0xA  }
0x1d4: {  	s6 =	sshll.u32 s6, $0x7;
	s1 =	sadd.s32 $0x2080, s17;
	s24 =	sor.u32 s13, s10  }
0x1d5: {  	s13 =	sand.u32 $0xFFFFE000, s31;
	s10 =	sand.u32 $0xFFFFE000, s15;
	s17 =	sshll.u32 s9, $0xA  }
0x1d6: {  	s9 =	sshll.u32 s9, $0x7;
	s23 =	sand.u32 $0xFFFFE000, s22;
	s6 =	sand.u32 $0x380, s6  }
0x1d7: {  	[dreg:$0x1a] =	wrdreg s1;
	s1 =	sor.u32 s21, s20;
	s16 =	sor.u32 s11, s10  }
0x1d8: {  	s18 =	sand.u32 $0xFFFFE000, s17;
	s9 =	sand.u32 $0x380, s9;
	s1 =	sadd.s32 $0x2080, s1  }
0x1d9: {  	s31 =	sor.u32 s6, s23;
	[dreg:$0x1b] =	wrdreg s1;
	s1 =	sadd.s32 $0x2080, s24  }
0x1da: {  	s6 =	sadd.s32 $0x2080, s31;
	[dreg:$0x1c] =	wrdreg s1;
	s1 =	sor.u32 s14, s13  }
0x1db: {  	s21 =	sshll.u32 s5, $0xA;
	[smem:$0x7EC] =	sst s6;
	s1 =	sadd.s32 $0x2080, s1  }
0x1dc: {  	s5 =	sshll.u32 s5, $0x7;
	[dreg:$0x1d] =	wrdreg s1;
	s1 =	sadd.s32 $0x2080, s16  }
0x1dd: {  	[dreg:$0x1e] =	wrdreg s1;
	s1 =	sor.u32 s9, s18;
	s9 =	sand.u32 $0xFFFFE000, s19  }
0x1de: {  	s1 =	sadd.s32 $0x2080, s1;
	s20 =	sor.u32 s7, s9;
	s9 =	rddreg [dreg:$0x14]  }
0x1df: {  	s5 =	sand.u32 $0x380, s5;
	s7 =	sand.u32 $0xFFFFE000, s21;
	[dreg:$0x1f] =	wrdreg s1  }
0x1e0: {  	s1 =	sadd.s32 $0x2080, s20;
	s5 =	sor.u32 s5, s7;
	s7 =	sshll.u32 s3, $0xA  }
0x1e1: {  	s3 =	sshll.u32 s3, $0x7;
	[smem:$0x7EE] =	sst s1;
	s24 =	sadd.s32 $0x2080, s5  }
0x1e2: {  	s5 =	sand.u32 $0xFFFFE000, s7;
	s3 =	sand.u32 $0x380, s3;
	s7 =	simm.s32 $0x0  }
0x1e3: {  	[smem:$0x7EB] =	sst s24;
	s10 =	sor.u32 s3, s5;
	s12 =	sand.u32 $0x1C00, s7  }
0x1e4: {  	s18 =	sand.u32 $0x70, s7;
	s1 =	sadd.s32 $0x2080, s10;
	s11 =	sadd.s32 s12, s9  }
0x1e5: {  	[sflag:s2] =	ssyncadd.s32 @!p1 $0xFFFFC000;
	[smem:$0x7ED] =	sst s1;
	s13 =	sadd.s32 s18, s11  }
0x1e6: {  	v4 =	vld [tilespmem:s13+$0x0];
	_ =	sdelay $0x2  }
0x1e7: {  	s14 =	rddreg [dreg:$0x15]  }
0x1e8: {  	s22 =	sor.u32 s18, s12;
	s1 =	sadd.s32 s12, s14  }
0x1e9: {  	s1 =	sadd.s32 s18, s1;
	[tilespmem:s22+$0x18080] =	vst v4  }
0x1ea: {  	v4 =	vld [tilespmem:s1+$0x0];
	_ =	sdelay $0x2  }
0x1eb: {  	s15 =	rddreg [dreg:$0x16]  }
0x1ec: {  	s1 =	sadd.s32 s12, s15  }
0x1ed: {  	s1 =	sadd.s32 s18, s1;
	[tilespmem:s22+$0x18100] =	vst v4  }
0x1ee: {  	v4 =	vld [tilespmem:s1+$0x0];
	_ =	sdelay $0x2  }
0x1ef: {  	s16 =	rddreg [dreg:$0x17]  }
0x1f0: {  	s1 =	sadd.s32 s12, s16  }
0x1f1: {  	s1 =	sadd.s32 s18, s1;
	[tilespmem:s22+$0x18180] =	vst v4  }
0x1f2: {  	v4 =	vld [tilespmem:s1+$0x0]  }
0x1f3: {  	s3 =	simm.s32 $0x80  }
0x1f4: {  	s17 =	rddreg [dreg:$0x14];
	s6 =	simm.s32 $0x10;
	s5 =	sand.u32 $0x1C00, s3  }
0x1f5: {  	s14 =	sand.u32 $0x70, s6;
	s19 =	rddreg [dreg:$0x18];
	s1 =	sadd.s32 s5, s17  }
0x1f6: {  	s1 =	sadd.s32 s14, s1;
	s2 =	sadd.s32 s12, s19  }
0x1f7: {  	s20 =	sadd.s32 s18, s2;
	[tilespmem:s22+$0x18200] =	vst v4;
	v4 =	vld [tilespmem:s1+$0x0]  }
0x1f8: {  	v5 =	vld [tilespmem:s20+$0x0];
	_ =	sdelay $0x1  }
0x1f9: {  	s21 =	rddreg [dreg:$0x15]  }
0x1fa: {  	s23 =	sor.u32 s14, s5;
	s2 =	sadd.s32 s5, s21;
	s24 =	rddreg [dreg:$0x19]  }
0x1fb: {  	s2 =	sadd.s32 s14, s2;
	s1 =	sadd.s32 s12, s24;
	[tilespmem:s23+$0x18080] =	vst v4  }
0x1fc: {  	s1 =	sadd.s32 s18, s1;
	v4 =	vld [tilespmem:s2+$0x0];
	[tilespmem:s22+$0x18280] =	vst v5  }
0x1fd: {  	v5 =	vld [tilespmem:s1+$0x0];
	_ =	sdelay $0x1  }
0x1fe: {  	s31 =	rddreg [dreg:$0x16]  }
0x1ff: {  	s9 =	rddreg [dreg:$0x1a];
	s2 =	sadd.s32 s5, s31  }
0x200: {  	s2 =	sadd.s32 s14, s2;
	s1 =	sadd.s32 s12, s9;
	[tilespmem:s23+$0x18100] =	vst v4  }
0x201: {  	s1 =	sadd.s32 s18, s1;
	v4 =	vld [tilespmem:s2+$0x0];
	[tilespmem:s22+$0x18300] =	vst v5  }
0x202: {  	v5 =	vld [tilespmem:s1+$0x0]  }
0x203: {  	s13 =	rddreg [dreg:$0x14]  }
0x204: {  	s16 =	simm.s32 $0x20;
	s10 =	rddreg [dreg:$0x17]  }
0x205: {  	s31 =	simm.s32 $0x100;
	s11 =	rddreg [dreg:$0x1b];
	s2 =	sadd.s32 s5, s10  }
0x206: {  	s24 =	sand.u32 $0x1C00, s31;
	s2 =	sadd.s32 s14, s2;
	s1 =	sadd.s32 s12, s11;
	[tilespmem:s23+$0x18180] =	vst v4  }
0x207: {  	s9 =	sand.u32 $0x70, s16;
	s17 =	sadd.s32 s24, s13;
	s1 =	sadd.s32 s18, s1;
	v4 =	vld [tilespmem:s2+$0x0];
	[tilespmem:s22+$0x18380] =	vst v5  }
0x208: {  	s2 =	sadd.s32 s9, s17;
	v5 =	vld [tilespmem:s1+$0x0]  }
0x209: {  	s21 =	rddreg [dreg:$0x15];
	v6 =	vld [tilespmem:s2+$0x0]  }
0x20a: {  	s15 =	rddreg [dreg:$0x18]  }
0x20b: {  	s20 =	sor.u32 s7, s7;
	s19 =	rddreg [dreg:$0x1c];
	s1 =	sadd.s32 s5, s15  }
0x20c: {  	s2 =	sor.u32 $0x380, s20;
	s1 =	sadd.s32 s14, s1;
	s10 =	sadd.s32 s12, s19;
	[tilespmem:s23+$0x18200] =	vst v4  }
0x20d: {  	s11 =	sadd.s32 s24, s21;
	s17 =	sor.u32 s9, s24;
	[tilespmem:s2+$0x18080] =	vst v5;
	v4 =	vld [tilespmem:s1+$0x0];
	s2 =	sadd.s32 s18, s10  }
0x20e: {  	[tilespmem:s17+$0x18080] =	vst v6;
	s1 =	sadd.s32 s9, s11;
	v5 =	vld [tilespmem:s2+$0x0]  }
0x20f: {  	v6 =	vld [tilespmem:s1+$0x0]  }
0x210: {  	s10 =	rddreg [dreg:$0x19]  }
0x211: {  	s13 =	rddreg [dreg:$0x1d];
	s15 =	sadd.s32 s5, s10  }
0x212: {  	s19 =	rddreg [dreg:$0x16];
	s1 =	sadd.s32 s14, s15;
	s7 =	sadd.s32 s12, s13;
	[tilespmem:s23+$0x18280] =	vst v4  }
0x213: {  	s2 =	sadd.s32 s24, s19;
	s20 =	sadd.s32 s18, s7;
	v4 =	vld [tilespmem:s1+$0x0];
	[tilespmem:s22+$0x1A080] =	vst v5  }
0x214: {  	[tilespmem:s17+$0x18100] =	vst v6;
	s1 =	sadd.s32 s9, s2;
	v5 =	vld [tilespmem:s20+$0x0]  }
0x215: {  	v6 =	vld [tilespmem:s1+$0x0]  }
0x216: {  	s21 =	rddreg [dreg:$0x1a]  }
0x217: {  	s10 =	rddreg [dreg:$0x1e];
	s11 =	sadd.s32 s5, s21  }
0x218: {  	s13 =	rddreg [dreg:$0x17];
	s1 =	sadd.s32 s14, s11;
	s2 =	sadd.s32 s12, s10;
	[tilespmem:s23+$0x18300] =	vst v4  }
0x219: {  	s20 =	sadd.s32 s24, s13;
	s15 =	sadd.s32 s18, s2;
	v4 =	vld [tilespmem:s1+$0x0];
	[tilespmem:s22+$0x1A100] =	vst v5  }
0x21a: {  	[tilespmem:s17+$0x18180] =	vst v6;
	s1 =	sadd.s32 s9, s20;
	v5 =	vld [tilespmem:s15+$0x0]  }
0x21b: {  	v6 =	vld [tilespmem:s1+$0x0]  }
0x21c: {  	s19 =	rddreg [dreg:$0x1b]  }
0x21d: {  	s21 =	rddreg [dreg:$0x1f];
	s11 =	sadd.s32 s5, s19  }
0x21e: {  	s13 =	rddreg [dreg:$0x18];
	s1 =	sadd.s32 s14, s11;
	s19 =	sadd.s32 s12, s21;
	[tilespmem:s23+$0x18380] =	vst v4  }
0x21f: {  	s10 =	sld [smem:$0x7EE];
	s7 =	sadd.s32 s18, s19;
	s19 =	sadd.s32 s24, s13;
	v4 =	vld [tilespmem:s1+$0x0];
	[tilespmem:s22+$0x1A180] =	vst v5  }
0x220: {  	s28 =	simm.s32 $0x30;
	s2 =	simm.s32 $0x180;
	[tilespmem:s17+$0x18200] =	vst v6;
	s1 =	sadd.s32 s9, s19;
	v5 =	vld [tilespmem:s7+$0x0]  }
0x221: {  	s3 =	sor.u32 s3, s6;
	s20 =	rddreg [dreg:$0x14];
	s7 =	sand.u32 $0x1C00, s2;
	v6 =	vld [tilespmem:s1+$0x0]  }
0x222: {  	s21 =	sand.u32 $0x70, s28;
	s15 =	rddreg [dreg:$0x1c];
	s20 =	sadd.s32 s7, s20  }
0x223: {  	s13 =	sor.u32 $0x380, s3;
	s15 =	sadd.s32 s5, s15;
	s11 =	sadd.s32 s21, s20  }
0x224: {  	s10 =	sadd.s32 s12, s10;
	s19 =	rddreg [dreg:$0x19];
	s3 =	sadd.s32 s14, s15;
	v7 =	vld [tilespmem:s11+$0x0];
	[tilespmem:s13+$0x18080] =	vst v4  }
0x225: {  	s19 =	sadd.s32 s24, s19;
	s13 =	sadd.s32 s18, s10;
	[tilespmem:s22+$0x1A200] =	vst v5;
	v4 =	vld [tilespmem:s3+$0x0]  }
0x226: {  	[tilespmem:s17+$0x18280] =	vst v6;
	s3 =	sadd.s32 s9, s19;
	v5 =	vld [tilespmem:s13+$0x0]  }
0x227: {  	s20 =	rddreg [dreg:$0x15];
	v6 =	vld [tilespmem:s3+$0x0]  }
0x228: {  	s6 =	sor.u32 s21, s7;
	s1 =	sadd.s32 s7, s20;
	s20 =	sld [smem:$0x7EB]  }
0x229: {  	s30 =	simm.s32 $0x40;
	s15 =	rddreg [dreg:$0x1d];
	[tilespmem:s6+$0x18080] =	vst v7  }
0x22a: {  	s25 =	sadd.s32 s29, s25;
	s1 =	sadd.s32 s21, s1;
	s10 =	sadd.s32 s5, s15;
	[tilespmem:s23+$0x1A080] =	vst v4  }
0x22b: {  	s13 =	rddreg [dreg:$0x1a];
	v7 =	vld [tilespmem:s1+$0x0];
	s1 =	sadd.s32 s14, s10;
	s11 =	sadd.s32 s12, s20;
	[tilespmem:s22+$0x1A280] =	vst v5  }
0x22c: {  	p1 =	slt.s32 s4, s8;
	s15 =	rddreg [dreg:$0x16];
	s19 =	sadd.s32 s18, s11;
	v4 =	vld [tilespmem:s1+$0x0];
	[tilespmem:s17+$0x18300] =	vst v6  }
0x22d: {  	s31 =	sor.u32 s31, s16;
	s8 =	sadd.s32 s24, s13;
	v5 =	vld [tilespmem:s19+$0x0];
	s19 =	sld [smem:$0x7FB]  }
0x22e: {  	s11 =	sadd.s32 $0x10, s4;
	s10 =	sadd.s32 s7, s15;
	s15 =	sld [smem:$0x7EC]  }
0x22f: {  	s20 =	rddreg [dreg:$0x1e];
	s1 =	sadd.s32 s9, s8;
	s3 =	sadd.s32 s21, s10  }
0x230: {  	v6 =	vld [tilespmem:s1+$0x0];
	s20 =	sadd.s32 s5, s20;
	s13 =	rddreg [dreg:$0x1b];
	[tilespmem:s6+$0x18100] =	vst v7;
	s8 =	sor.u32 s19, s26  }
0x231: {  	v7 =	vld [tilespmem:s3+$0x0];
	s26 =	rddreg [dreg:$0x17];
	s3 =	sadd.s32 s14, s20;
	s10 =	sadd.s32 s12, s15;
	[tilespmem:s23+$0x1A100] =	vst v4  }
0x232: {  	s1 =	sadd.s32 $0x10, s0;
	s15 =	sadd.s32 s18, s10;
	v4 =	vld [tilespmem:s3+$0x0];
	[tilespmem:s22+$0x1A300] =	vst v5;
	s19 =	rddreg [dreg:$0x1f]  }
0x233: {  	s4 =	smov.u32 @p1 s11;
	s0 =	smov.u32 @p2 s1;
	s3 =	sld [smem:$0x7EE];
	v8 =	vld [tilespmem:s15+$0x0]  }
0x234: {  	s13 =	sadd.s32 s24, s13;
	s20 =	sadd.s32 s7, s26;
	s26 =	sld [smem:$0x7ED]  }
0x235: {  	s13 =	sadd.s32 s9, s13;
	s1 =	sadd.s32 s21, s20;
	[tilespmem:s17+$0x18380] =	vst v6;
	s20 =	rddreg [dreg:$0x14]  }
0x236: {  	s11 =	rddreg [dreg:$0x1c];
	s10 =	sadd.s32 s5, s19;
	v6 =	vld [tilespmem:s13+$0x0];
	s13 =	simm.s32 $0x200;
	[tilespmem:s6+$0x18180] =	vst v7  }
0x237: {  	v7 =	vld [tilespmem:s1+$0x0];
	s19 =	sadd.s32 s12, s26;
	s26 =	sadd.s32 s14, s10;
	s10 =	rddreg [dreg:$0x18];
	[tilespmem:s23+$0x1A180] =	vst v4  }
0x238: {  	s12 =	simm.s32 $0x50;
	s1 =	sadd.s32 s18, s19;
	v5 =	vld [tilespmem:s26+$0x0];
	[tilespmem:s22+$0x1A380] =	vst v8;
	s26 =	sand.u32 $0x1C00, s13  }
0x239: {  	s18 =	sand.u32 $0x70, s30;
	v4 =	vld [tilespmem:s1+$0x0];
	s16 =	sadd.s32 s26, s20;
	s1 =	sor.u32 $0x380, s31  }
.LBB2_11:
0x23a: {  	p1 =	sne.s32 s12, $0x3F0  }
0x23b: {  	s15 =	sadd.s32 s18, s16;
	s10 =	sadd.s32 s7, s10;
	s20 =	rddreg [dreg:$0x15]  }
0x23c: {  	s19 =	sadd.s32 s24, s11;
	s16 =	smov.u32 s2;
	s31 =	rddreg [dreg:$0x19];
	[tilespmem:s6+$0x18200] =	vst v7  }
0x23d: {  	s11 =	rddreg [dreg:$0x1d];
	s2 =	smov.u32 s13;
	s10 =	sadd.s32 s21, s10;
	v7 =	vld [tilespmem:s15+$0x0];
	[tilespmem:s1+$0x18080] =	vst v6  }
0x23e: {  	s1 =	sadd.s32 s9, s19;
	s3 =	sadd.s32 s5, s3;
	s19 =	sld [smem:$0x7EB];
	v6 =	vld [tilespmem:s10+$0x0];
	[tilespmem:s23+$0x1A200] =	vst v5  }
0x23f: {  	s15 =	sadd.s32 s26, s20;
	s20 =	rddreg [dreg:$0x16];
	s3 =	sadd.s32 s14, s3;
	v5 =	vld [tilespmem:s1+$0x0];
	[tilespmem:s22+$0x1A400] =	vst v4  }
0x240: {  	s10 =	sadd.s32 s7, s31;
	s20 =	sadd.s32 s26, s20;
	s22 =	smov.u32 s23;
	v4 =	vld [tilespmem:s3+$0x0]  }
0x241: {  	s23 =	smov.u32 s17;
	s17 =	smov.u32 s6;
	s6 =	sor.u32 s18, s26  }
0x242: {  	s1 =	sadd.s32 s18, s15;
	s10 =	sadd.s32 s21, s10;
	s15 =	rddreg [dreg:$0x1b];
	[tilespmem:s6+$0x18080] =	vst v7  }
0x243: {  	s3 =	sadd.s32 s24, s11;
	s31 =	sadd.s32 s5, s19;
	s11 =	rddreg [dreg:$0x1a];
	v7 =	vld [tilespmem:s1+$0x0];
	[tilespmem:s17+$0x18280] =	vst v6  }
0x244: {  	s19 =	rddreg [dreg:$0x1e];
	s3 =	sadd.s32 s9, s3;
	s1 =	smov.u32 s14;
	v6 =	vld [tilespmem:s10+$0x0];
	[tilespmem:s23+$0x1A080] =	vst v5  }
0x245: {  	s11 =	sadd.s32 s7, s11;
	s14 =	smov.u32 s9;
	s10 =	sadd.s32 s1, s31;
	v5 =	vld [tilespmem:s3+$0x0];
	[tilespmem:s22+$0x1A280] =	vst v4  }
0x246: {  	s9 =	smov.u32 s21;
	s21 =	smov.u32 s18;
	s31 =	sld [smem:$0x7EC];
	v4 =	vld [tilespmem:s10+$0x0]  }
0x247: {  	s18 =	smov.u32 s5;
	s5 =	smov.u32 s24;
	s24 =	smov.u32 s7  }
0x248: {  	s11 =	sadd.s32 s9, s11;
	s3 =	sadd.s32 s21, s20;
	s10 =	sadd.s32 s5, s19;
	[tilespmem:s6+$0x18100] =	vst v7  }
0x249: {  	s19 =	rddreg [dreg:$0x17];
	s7 =	sadd.s32 s14, s10;
	s10 =	sadd.s32 s18, s31;
	v7 =	vld [tilespmem:s3+$0x0];
	[tilespmem:s17+$0x18300] =	vst v6  }
0x24a: {  	s13 =	sadd.s32 $0x80, s13;
	s31 =	rddreg [dreg:$0x1f];
	s20 =	sadd.s32 s1, s10;
	v6 =	vld [tilespmem:s11+$0x0];
	[tilespmem:s23+$0x1A100] =	vst v5  }
0x24b: {  	s10 =	sadd.s32 s24, s15;
	s15 =	sadd.s32 s5, s31;
	s31 =	rddreg [dreg:$0x14];
	v5 =	vld [tilespmem:s7+$0x0];
	[tilespmem:s22+$0x1A300] =	vst v4  }
0x24c: {  	s3 =	sld [smem:$0x7EE];
	s10 =	sadd.s32 s9, s10;
	s7 =	smov.u32 s26;
	v4 =	vld [tilespmem:s20+$0x0]  }
0x24d: {  	s15 =	sadd.s32 s14, s15;
	s11 =	sadd.s32 s7, s19;
	s19 =	sld [smem:$0x7ED]  }
.Ltmp5:
0x24e: {  	s26 =	sand.u32 $0x1C00, s13;
	s11 =	sadd.s32 s21, s11;
	[tilespmem:s6+$0x18180] =	vst v7;
	(pc) =	sbr.rel @p1 .LBB2_11-.Ltmp5, $4  }
0x24f: {  	s20 =	smov.u32 s28;
	s28 =	smov.u32 s30;
	s30 =	smov.u32 s12;
	v7 =	vld [tilespmem:s11+$0x0];
	[tilespmem:s17+$0x18380] =	vst v6  }
0x250: {  	s20 =	sor.u32 s16, s20;
	s11 =	rddreg [dreg:$0x1c];
	s18 =	sadd.s32 s18, s19;
	v6 =	vld [tilespmem:s10+$0x0];
	[tilespmem:s23+$0x1A180] =	vst v5  }
0x251: {  	s16 =	sadd.s32 s26, s31;
	s10 =	rddreg [dreg:$0x18];
	s1 =	sadd.s32 s1, s18;
	v5 =	vld [tilespmem:s15+$0x0];
	[tilespmem:s22+$0x1A380] =	vst v4  }
0x252: {  	s18 =	sand.u32 $0x70, s12;
	s12 =	sadd.s32 $0x10, s12;
	v4 =	vld [tilespmem:s1+$0x0];
	s1 =	sor.u32 $0x380, s20  }
0x253: {  	s12 =	sadd.s32 s18, s16  }
0x254: {  	v8 =	vld [tilespmem:s12+$0x0];
	_ =	sdelay $0x2  }
0x255: {  	s15 =	rddreg [dreg:$0x15]  }
0x256: {  	s12 =	sor.u32 s18, s26;
	s15 =	sadd.s32 s26, s15  }
0x257: {  	s15 =	sadd.s32 s18, s15;
	[tilespmem:s12+$0x18080] =	vst v8  }
0x258: {  	v8 =	vld [tilespmem:s15+$0x0];
	_ =	sdelay $0x2  }
0x259: {  	s31 =	rddreg [dreg:$0x16]  }
0x25a: {  	s15 =	sadd.s32 s26, s31  }
0x25b: {  	s15 =	sadd.s32 s18, s15;
	[tilespmem:s12+$0x18100] =	vst v8  }
0x25c: {  	v8 =	vld [tilespmem:s15+$0x0];
	_ =	sdelay $0x2  }
0x25d: {  	s16 =	rddreg [dreg:$0x17]  }
0x25e: {  	s15 =	sadd.s32 s26, s16  }
0x25f: {  	s15 =	sadd.s32 s18, s15;
	[tilespmem:s12+$0x18180] =	vst v8  }
0x260: {  	v8 =	vld [tilespmem:s15+$0x0];
	_ =	sdelay $0x2  }
0x261: {  	s10 =	sadd.s32 s7, s10;
	s19 =	rddreg [dreg:$0x18]  }
0x262: {  	[tilespmem:s6+$0x18200] =	vst v7;
	s10 =	sadd.s32 s21, s10;
	s15 =	sadd.s32 s26, s19  }
0x263: {  	v7 =	vld [tilespmem:s10+$0x0];
	s20 =	sadd.s32 s18, s15;
	[tilespmem:s12+$0x18200] =	vst v8  }
0x264: {  	v8 =	vld [tilespmem:s20+$0x0];
	_ =	sdelay $0x1  }
0x265: {  	s31 =	rddreg [dreg:$0x19]  }
0x266: {  	s15 =	sadd.s32 s7, s31;
	s16 =	rddreg [dreg:$0x19]  }
0x267: {  	[tilespmem:s6+$0x18280] =	vst v7;
	s15 =	sadd.s32 s21, s15;
	s10 =	sadd.s32 s26, s16  }
0x268: {  	v7 =	vld [tilespmem:s15+$0x0];
	s10 =	sadd.s32 s18, s10;
	[tilespmem:s12+$0x18280] =	vst v8  }
0x269: {  	v8 =	vld [tilespmem:s10+$0x0];
	_ =	sdelay $0x1  }
0x26a: {  	s19 =	rddreg [dreg:$0x1a]  }
0x26b: {  	s15 =	sadd.s32 s7, s19;
	s20 =	rddreg [dreg:$0x1a]  }
0x26c: {  	s15 =	sadd.s32 s21, s15;
	[tilespmem:s6+$0x18300] =	vst v7;
	s10 =	sadd.s32 s26, s20  }
0x26d: {  	v7 =	vld [tilespmem:s15+$0x0];
	s10 =	sadd.s32 s18, s10;
	[tilespmem:s12+$0x18300] =	vst v8  }
0x26e: {  	v8 =	vld [tilespmem:s10+$0x0];
	_ =	sdelay $0x1  }
0x26f: {  	s31 =	rddreg [dreg:$0x1b]  }
0x270: {  	s15 =	sadd.s32 s7, s31;
	s16 =	rddreg [dreg:$0x1b]  }
0x271: {  	s15 =	sadd.s32 s21, s15;
	[tilespmem:s6+$0x18380] =	vst v7;
	s10 =	sadd.s32 s26, s16  }
0x272: {  	v7 =	vld [tilespmem:s15+$0x0];
	s10 =	sadd.s32 s18, s10;
	[tilespmem:s12+$0x18380] =	vst v8  }
0x273: {  	s11 =	sadd.s32 s24, s11;
	v8 =	vld [tilespmem:s10+$0x0]  }
0x274: {  	s13 =	sor.u32 s13, s30;
	s30 =	sadd.s32 s9, s11;
	[tilespmem:s1+$0x18080] =	vst v6  }
0x275: {  	s2 =	sor.u32 s2, s28;
	v6 =	vld [tilespmem:s30+$0x0];
	s19 =	rddreg [dreg:$0x1c]  }
0x276: {  	s2 =	sor.u32 $0x380, s2;
	s31 =	sadd.s32 s7, s19;
	s20 =	rddreg [dreg:$0x1c]  }
0x277: {  	s13 =	sor.u32 $0x380, s13;
	s11 =	sadd.s32 s21, s31;
	[tilespmem:s2+$0x18080] =	vst v7;
	s10 =	sadd.s32 s26, s20  }
0x278: {  	s15 =	rddreg [dreg:$0x1d];
	v7 =	vld [tilespmem:s11+$0x0];
	s16 =	sadd.s32 s18, s10;
	[tilespmem:s13+$0x18080] =	vst v8  }
0x279: {  	s30 =	sadd.s32 s24, s15;
	v8 =	vld [tilespmem:s16+$0x0]  }
0x27a: {  	[tilespmem:s17+$0x1A080] =	vst v6;
	s10 =	sadd.s32 s9, s30  }
0x27b: {  	s19 =	rddreg [dreg:$0x1d];
	v6 =	vld [tilespmem:s10+$0x0]  }
0x27c: {  	s2 =	sadd.s32 s7, s19;
	s20 =	rddreg [dreg:$0x1d]  }
0x27d: {  	s2 =	sadd.s32 s21, s2;
	[tilespmem:s6+$0x1A080] =	vst v7;
	s1 =	sadd.s32 s26, s20  }
0x27e: {  	s31 =	rddreg [dreg:$0x1e];
	v7 =	vld [tilespmem:s2+$0x0];
	s1 =	sadd.s32 s18, s1;
	[tilespmem:s12+$0x1A080] =	vst v8  }
0x27f: {  	s10 =	sadd.s32 s24, s31;
	v8 =	vld [tilespmem:s1+$0x0]  }
0x280: {  	s10 =	sadd.s32 s9, s10;
	[tilespmem:s17+$0x1A100] =	vst v6  }
0x281: {  	s11 =	rddreg [dreg:$0x1e];
	v6 =	vld [tilespmem:s10+$0x0]  }
0x282: {  	s2 =	sadd.s32 s7, s11;
	s13 =	rddreg [dreg:$0x1e]  }
0x283: {  	s2 =	sadd.s32 s21, s2;
	[tilespmem:s6+$0x1A100] =	vst v7;
	s1 =	sadd.s32 s26, s13  }
0x284: {  	s15 =	rddreg [dreg:$0x1f];
	v7 =	vld [tilespmem:s2+$0x0];
	s1 =	sadd.s32 s18, s1;
	[tilespmem:s12+$0x1A100] =	vst v8  }
0x285: {  	s10 =	sadd.s32 s24, s15;
	v8 =	vld [tilespmem:s1+$0x0]  }
0x286: {  	s20 =	sld [smem:$0x7EE];
	s10 =	sadd.s32 s9, s10;
	[tilespmem:s17+$0x1A180] =	vst v6  }
0x287: {  	s16 =	rddreg [dreg:$0x1f];
	v6 =	vld [tilespmem:s10+$0x0]  }
0x288: {  	s2 =	sadd.s32 s7, s16;
	s19 =	rddreg [dreg:$0x1f]  }
0x289: {  	s30 =	sld [smem:$0x7EE];
	s2 =	sadd.s32 s21, s2;
	[tilespmem:s6+$0x1A180] =	vst v7;
	s1 =	sadd.s32 s26, s19  }
0x28a: {  	v7 =	vld [tilespmem:s2+$0x0];
	s31 =	sld [smem:$0x7EE];
	s1 =	sadd.s32 s18, s1;
	[tilespmem:s12+$0x1A180] =	vst v8  }
0x28b: {  	s11 =	sadd.s32 s24, s20;
	v8 =	vld [tilespmem:s1+$0x0]  }
0x28c: {  	s3 =	sadd.s32 s5, s3;
	s15 =	sadd.s32 s9, s11;
	[tilespmem:s17+$0x1A200] =	vst v6  }
0x28d: {  	[tilespmem:s23+$0x1A200] =	vst v5;
	v6 =	vld [tilespmem:s15+$0x0];
	s1 =	sadd.s32 s14, s3  }
0x28e: {  	s16 =	sadd.s32 s7, s30;
	s30 =	sadd.s32 s26, s31;
	s31 =	sld [smem:$0x7EB];
	v5 =	vld [tilespmem:s1+$0x0]  }
0x28f: {  	s20 =	sadd.s32 s21, s16;
	s19 =	sld [smem:$0x7EB];
	[tilespmem:s6+$0x1A200] =	vst v7  }
0x290: {  	v7 =	vld [tilespmem:s20+$0x0];
	s2 =	sadd.s32 s18, s30;
	[tilespmem:s12+$0x1A200] =	vst v8  }
0x291: {  	s11 =	sld [smem:$0x7EB];
	s10 =	sadd.s32 s24, s31;
	v8 =	vld [tilespmem:s2+$0x0]  }
0x292: {  	s13 =	sadd.s32 s5, s19;
	s16 =	sadd.s32 s9, s10;
	[tilespmem:s17+$0x1A280] =	vst v6;
	s15 =	sld [smem:$0x7EB]  }
0x293: {  	s1 =	sadd.s32 s14, s13;
	v6 =	vld [tilespmem:s16+$0x0];
	[tilespmem:s23+$0x1A280] =	vst v5  }
0x294: {  	s31 =	sld [smem:$0x7EC];
	s2 =	sadd.s32 s7, s11;
	v5 =	vld [tilespmem:s1+$0x0]  }
0x295: {  	[tilespmem:s6+$0x1A280] =	vst v7;
	s19 =	sld [smem:$0x7EC];
	s20 =	sadd.s32 s21, s2;
	s30 =	sadd.s32 s26, s15  }
0x296: {  	v7 =	vld [tilespmem:s20+$0x0];
	s11 =	sadd.s32 s18, s30;
	[tilespmem:s12+$0x1A280] =	vst v8  }
0x297: {  	s13 =	sld [smem:$0x7EC];
	s3 =	sadd.s32 s24, s31;
	v8 =	vld [tilespmem:s11+$0x0]  }
0x298: {  	[tilespmem:s17+$0x1A300] =	vst v6;
	s15 =	sadd.s32 s5, s19;
	s19 =	sadd.s32 s9, s3;
	s16 =	sld [smem:$0x7EC]  }
0x299: {  	s1 =	sadd.s32 s14, s15;
	v6 =	vld [tilespmem:s19+$0x0];
	[tilespmem:s23+$0x1A300] =	vst v5  }
0x29a: {  	s2 =	sadd.s32 s7, s13;
	s31 =	sld [smem:$0x7ED];
	v5 =	vld [tilespmem:s1+$0x0]  }
0x29b: {  	s2 =	sadd.s32 s21, s2;
	s20 =	sld [smem:$0x7ED];
	[tilespmem:s6+$0x1A300] =	vst v7;
	s30 =	sadd.s32 s26, s16  }
0x29c: {  	v7 =	vld [tilespmem:s2+$0x0];
	s3 =	sadd.s32 s18, s30;
	[tilespmem:s12+$0x1A300] =	vst v8  }
0x29d: {  	s10 =	sld [smem:$0x7ED];
	s2 =	sadd.s32 s24, s31;
	v8 =	vld [tilespmem:s3+$0x0]  }
0x29e: {  	s13 =	sadd.s32 s9, s2;
	s1 =	sadd.s32 s5, s20;
	[tilespmem:s17+$0x1A380] =	vst v6;
	s11 =	sld [smem:$0x7ED]  }
0x29f: {  	s1 =	sadd.s32 s14, s1;
	v6 =	vld [tilespmem:s13+$0x0];
	[tilespmem:s23+$0x1A380] =	vst v5  }
0x2a0: {  	s14 =	sadd.s32 s7, s10;
	v5 =	vld [tilespmem:s1+$0x0]  }
0x2a1: {  	s15 =	sadd.s32 s21, s14;
	[tilespmem:s6+$0x1A380] =	vst v7;
	s16 =	sadd.s32 s26, s11  }
0x2a2: {  	v7 =	vld [tilespmem:s15+$0x0];
	s19 =	sadd.s32 s18, s16;
	[tilespmem:s12+$0x1A380] =	vst v8  }
0x2a3: {  	[tilespmem:s22+$0x1A400] =	vst v4;
	v8 =	vld [tilespmem:s19+$0x0]  }
0x2a4: {  	[tilespmem:s17+$0x1A400] =	vst v6  }
0x2a5: {  	[tilespmem:s23+$0x1A400] =	vst v5  }
0x2a6: {  	s21 =	sld [smem:$0x7F9]  }
0x2a7: {  	[tilespmem:s6+$0x1A400] =	vst v7  }
0x2a8: {  	s22 =	rddreg [dreg:$0x2];
	s20 =	sshll.u32 s8, $0xA;
	[tilespmem:s12+$0x1A400] =	vst v8  }
0x2a9: {  	s1 =	sadd.s32 s21, s20;
	s26 =	sld [smem:$0x7FC]  }
0x2aa: {  	s1 =	sshrl.u32 s1, $0x3;
	s30 =	sld [smem:$0x7F1]  }
0x2ab: {  	s24 =	simm.s32 $0x18080;
	s23 =	simm.s32 $0x0;
	s1 =	sadd.s32 s22, s1  }
0x2ac: {  	[hbm4b:s1+s23] =	stream.linear.scatter [tilespmem:s24], [sflag:$0x3], $0x4000, $0x38;
	[tilespmem:$0x1C080] =	vst v63  }
0x2ad: {  	s1 =	sadd.s32 s30, s26  }
0x2ae: {  	s1 =	smin.u32 s1, $0x1FF0  }
0x2af: {  	v4 =	vld [tilespmem:s1+$0x0];
	_ =	sdelay $0x4  }
0x2b0: {  	(xrf0) =	vadd.scan.msk.s32 $0xffff, v4;
	_ =	sdelay $0x5  }
0x2b1: {  	v4, _, _ =	vpop (xrf0)  }
0x2b2: {  	(v2sf) =	vpush v4, $0xF;
	_ =	sdelay $0x6  }
0x2b3: {  	s28 =	sld [smem:$0x7F0];
	_ =	sdelay $0x2  }
0x2b4: {  	s28 =	sadd.s32 $0x1, s28  }
0x2b5: {  	p1 =	sne.s32 s28, $0x10  }
.Ltmp6:
0x2b6: {  	_ = 	snop;
	(pc) =	sbr.rel @p1 .LBB2_8-.Ltmp6, $3  }
0x2b7: {  	_ =	sdelay $0x1  }
0x2b8: {  	s31 =	spop (v2sf)  }
0x2b9: {  	s22 =	smov.u32 s25;
	s21 =	sadd.s32 s25, s31  }
0x2ba: {  	p1 =	sge.s32 s4, s0  }
0x2bb: {  	p2 =	slt.s32 s4, s0;
	s2 =	sadd.s32 $0x10, s4;
	s1 =	simm.s32 @!p1 $0x1  }
0x2bc: {  	s4 =	smov.u32 @p2 s2;
	_ =	swait.ge @!p1 [sflag:s1], $0x4000  }
0x2bd: {  	p2 =	sge.s32 s4, s0;
	[sflag:s1] =	ssyncset.done @!p1 $0x0  }
0x2be: {  	s2 =	sadd.s32 @!p2 $0x10, s4;
	[sflag:s1] =	ssyncadd.s32 @!p1 $0xFFFFC000;
	s1 =	simm.s32 @!p2 $0x1  }
0x2bf: {  	p1 =	sge.s32 @!p2 s2, s0;
	_ =	swait.ge @!p2 [sflag:s1], $0x4000  }
0x2c0: {  	p1 =	por p1, p2;
	[sflag:s1] =	ssyncset.done @!p2 $0x0  }
0x2c1: {  	s0 =	simm.s32 @!p1 $0x1;
	[sflag:s1] =	ssyncadd.s32 @!p2 $0xFFFFC000  }
0x2c2: {  	_ =	swait.ge @!p1 [sflag:s0], $0x4000  }
0x2c3: {  	[sflag:s0] =	ssyncset.done @!p1 $0x0  }
0x2c4: {  	s28 =	simm.s32 $0x2;
	[sflag:s0] =	ssyncadd.s32 @!p1 $0xFFFFC000  }
0x2c5: {  	_ =	swait.ge [sflag:s28], $0x4000  }
0x2c6: {  	[sflag:s28] =	ssyncset.done $0x0  }
0x2c7: {  	s29 =	simm.s32 $0x3;
	[sflag:s28] =	ssyncadd.s32 $0xFFFFC000  }
0x2c8: {  	_ =	swait.ge [sflag:s29], $0x4000  }
0x2c9: {  	s30 =	sld [smem:$0x7F3]  }
0x2ca: {  	s31 =	sld [smem:$0x7FD];
	_ =	sdelay $0x1  }
0x2cb: {  	s2 =	sadd.s32 $0x1, s30  }
0x2cc: {  	p1 =	sne.s32 s2, s31  }
.Ltmp7:
0x2cd: {  	_ = 	snop;
	(pc) =	sbr.rel @p1 .LBB2_1-.Ltmp7, $3  }
0x2ce: {  	_ =	sdelay $0x1  }
0x2cf: {  	[sflag:s29] =	ssyncset.done $0x0  }
0x2d0: {  	[sflag:s29] =	ssyncadd.s32 $0xFFFFC000  }
0x2d1: {  	_ =	sfence.sel $0x180000  }
0x2d2: {  	[bflag:$0x0] =	sbarrier.arrive $0xFFFF  }
0x2d3: {  	_ =	strace $0x90000047  }
0x2d4: {  	s0 =	stileid.u32;
	[bflag:$0x2] =	sbarrier.arrive $0xFFFF  }
0x2d5: {  	p0 =	sne.s32 s0, $0x0;
	s0 =	rddreg [dreg:$0x3]  }
0x2d6: {  	s0 =	sadd.s32 @!p0 $0x100000, s0  }
0x2d7: {  	[sflag:s0] =	ssyncadd.tile.s32 @!p0 $0x1;
	_ =	shalt  }
.Lfunc_end2:
_tile_overlayer_lowered:
.L_overlay_start_2:
0x2d8: {  	(tag) =	ssettag $0x2  }
0x2d9: {  	s0 =	rddreg [dreg:$0x0];
	s2 =	stileid.u32  }
0x2da: {  	s1 =	rddreg [dreg:$0x1];
	p0 =	sne.s32 s2, $0x0  }
0x2db: {  	s3 =	rddreg [dreg:$0x2];
	[bflag:$0x3] =	sbarrier.arrive $0xFFFF;
	s2 =	simm.s32 @!p0 $0x1C04  }
0x2dc: {  	[timem:s3], [sflag:s2] =	dma.local @!p0 [hbm:s0], s1  }
0x2dd: {  	s0 =	simm.s32 @!p0 $0x4  }
0x2de: {  	_ =	swait.ge @!p0 [sflag:s0], s1  }
0x2df: {  	s1 =	ssub.s32 @!p0 $0x0, s1;
	[sflag:s0] =	ssyncset.done @!p0 $0x0  }
0x2e0: {  	[sflag:s0] =	ssyncadd.s32 @!p0 s1  }
0x2e1: {  	[bflag:$0x3] =	sbarrier.arrive $0xFFFF  }
0x2e2: {  	_ =	shalt  }

</sc_bundles>
